<compile_context>
chip_gen: v7x
topology: tpu7x:2x2x1
jax: 0.10.2.dev20260603
libtpu: 0.0.44.dev20260713+nightly
codegen_flags: <defaults>
</compile_context>

<pallas_src>
import functools

import jax
import jax.numpy as jnp
from jax import lax
from jax.experimental import pallas as pl
from jax.experimental.pallas import tpu as pltpu
from jax.experimental.pallas import tpu_sc as plsc

_NC = 2
_NS = 16
_NW = _NC * _NS
_L = 16

_EPS = 1e-5


def _table_body(arm_ref, color_ref, step_ref, gamma_ref, beta_ref, out_ref):
    na = arm_ref.shape[0]
    nc = color_ref.shape[0]
    ns = step_ref.shape[0]
    n = na * nc * ns

    def onehot(cols, idx_of_row):
        r = lax.broadcasted_iota(jnp.int32, (n, cols), 0)
        c = lax.broadcasted_iota(jnp.int32, (n, cols), 1)
        return (idx_of_row(r) == c).astype(jnp.float32)

    a_sel = onehot(na, lambda r: r // (nc * ns))
    c_sel = onehot(nc, lambda r: (r // ns) % nc)
    s_sel = onehot(ns, lambda r: r % ns)

    tok = (
        jnp.dot(a_sel, arm_ref[...], preferred_element_type=jnp.float32)
        + jnp.dot(c_sel, color_ref[...], preferred_element_type=jnp.float32)
        + jnp.dot(s_sel, step_ref[...], preferred_element_type=jnp.float32)
    )
    mean = jnp.mean(tok, axis=1, keepdims=True)
    d = tok - mean
    var = jnp.mean(d * d, axis=1, keepdims=True)
    row = d * lax.rsqrt(var + _EPS) * gamma_ref[...] + beta_ref[...]
    for r in range(out_ref.shape[0] // n):
        out_ref[pl.ds(r * n, n), :] = row


def _build_table(arm_w, color_w, step_w, gamma, beta, replicas):
    n = arm_w.shape[0] * color_w.shape[0] * step_w.shape[0]
    h = arm_w.shape[1]
    return pl.pallas_call(
        _table_body,
        out_shape=jax.ShapeDtypeStruct((replicas * n, h), jnp.float32),
    )(arm_w, color_w, step_w, gamma.reshape(1, h), beta.reshape(1, h))


def _make_gather(b, h, bpw, chunk, nbuf, nrows):
    nchunk = bpw // chunk
    mesh = plsc.VectorSubcoreMesh(core_axis_name="c", subcore_axis_name="s")

    @functools.partial(
        pl.kernel,
        out_type=jax.ShapeDtypeStruct((b, 1, h), jnp.float32),
        mesh=mesh,
        scratch_types=[
            pltpu.VMEM((bpw,), jnp.int32),
            pltpu.VMEM((bpw,), jnp.int32),
            pltpu.VMEM((bpw,), jnp.int32),
            pltpu.VMEM((bpw,), jnp.int32),
            pltpu.VMEM((nbuf, chunk, h), jnp.float32),
            pltpu.SemaphoreType.DMA,
            pltpu.SemaphoreType.DMA,
        ],
    )
    def gather_kernel(table_hbm, aidx_hbm, cidx_hbm, sidx_hbm, out_hbm,
                      aidx_v, cidx_v, sidx_v, fidx_v, rows_v, gsem, ssem):
        wid = lax.axis_index("s") * _NC + lax.axis_index("c")
        base = wid * bpw

        ca = pltpu.async_copy(aidx_hbm.at[pl.ds(base, bpw)], aidx_v, gsem)
        cc = pltpu.async_copy(cidx_hbm.at[pl.ds(base, bpw)], cidx_v, gsem)
        cs = pltpu.async_copy(sidx_hbm.at[pl.ds(base, bpw)], sidx_v, gsem)
        ca.wait(); cc.wait(); cs.wait()

        @pl.loop(0, bpw // _L)
        def _(j):
            sl = pl.ds(j * _L, _L)
            fidx_v[sl] = (aidx_v[sl] * 16 + cidx_v[sl] * 4 + sidx_v[sl]
                          + (wid // 2) * nrows)

        def fire_gather(g, buf):
            idx = fidx_v[pl.ds(g * chunk, chunk)]
            pltpu.async_copy(table_hbm.at[idx], rows_v.at[buf], gsem)

        def drain(sem, buf):
            pltpu.make_async_copy(
                table_hbm.at[pl.ds(0, chunk)], rows_v.at[buf], sem
            ).wait()

        def fire_store(g, buf):
            pltpu.async_copy(rows_v.at[buf],
                             out_hbm.at[pl.ds(base + g * chunk, chunk), 0],
                             ssem)

        def step(g, gbuf):
            drain(gsem, gbuf)
            fire_store(g, gbuf)
            drain(ssem, gbuf)
            fire_gather(g + nbuf - 1, (g + nbuf - 1) % nbuf)

        for g in range(nbuf):
            fire_gather(g, g)
        drain(gsem, 0)
        fire_store(0, 0)

        main = (nchunk - nbuf - 1) // nbuf * nbuf
        @pl.loop(1, 1 + main, step=nbuf)
        def _(g0):
            for j in range(nbuf):
                g = g0 + j
                step(g, (1 + j) % nbuf)

        for g in range(1 + main, nchunk):
            if g + nbuf - 1 < nchunk:
                step(g, g % nbuf)
            else:
                drain(gsem, g % nbuf)
                fire_store(g, g % nbuf)
                drain(ssem, g % nbuf)
        drain(ssem, 0)

    return gather_kernel


def kernel(arm_idx, color_idx, step_idx, arm_w, color_w, step_w, gamma, beta):
    b = arm_idx.shape[0]
    h = arm_w.shape[1]
    nrows = arm_w.shape[0] * color_w.shape[0] * step_w.shape[0]
    table = _build_table(arm_w, color_w, step_w, gamma, beta, replicas=_NW // 2)

    bpw = b // _NW
    chunk = 16
    gather = _make_gather(b, h, bpw, chunk, nbuf=3, nrows=nrows)
    return gather(
        table,
        arm_idx.astype(jnp.int32),
        color_idx.astype(jnp.int32),
        step_idx.astype(jnp.int32),
    )

# --- scband reference (transcript-rebuilt; emitter-appended) ---
"""Pipeline reference for scband-sub-goal-tokenizer-8169027797616 (READ-ONLY COPY).

The authoritative reference and input builder live on the scoring server;
editing this copy changes nothing except your own understanding.
"""

import jax, jax.numpy as jnp
import numpy as np

H = 2048
B = 16384

def setup_inputs(seed: int = 0) -> dict:
    key = jax.random.key(seed)
    k1, k2, k3, k4, k5, k6 = jax.random.split(key, 6)
    arm_idx = jax.random.randint(k1, (B,), 0, 3, dtype=jnp.int64) if jax.config.jax_enable_x64 else jax.random.randint(k1, (B,), 0, 3).astype(jnp.int32)
    color_idx = jax.random.randint(k2, (B,), 0, 4).astype(arm_idx.dtype)
    step_idx = jax.random.randint(k3, (B,), 0, 4).astype(arm_idx.dtype)
    arm_w = 0.02 * jax.random.normal(k4, (3, H), dtype=jnp.float32)
    color_w = 0.02 * jax.random.normal(k5, (4, H), dtype=jnp.float32)
    step_w = 0.02 * jax.random.normal(k6, (4, H), dtype=jnp.float32)
    # zero the 'unknown' rows per module init
    arm_w = arm_w.at[2].set(0.0)
    color_w = color_w.at[3].set(0.0)
    step_w = step_w.at[3].set(0.0)
    gamma = jnp.ones((H,), dtype=jnp.float32)
    beta = jnp.zeros((H,), dtype=jnp.float32)
    return {"arm_idx": arm_idx, "color_idx": color_idx, "step_idx": step_idx,
            "arm_w": arm_w, "color_w": color_w, "step_w": step_w,
            "gamma": gamma, "beta": beta}

def _layernorm(x, gamma, beta, eps=1e-5):
    mean = jnp.mean(x, axis=-1, keepdims=True)
    var = jnp.mean(jnp.square(x - mean), axis=-1, keepdims=True)
    return (x - mean) * jax.lax.rsqrt(var + eps) * gamma + beta

def reference(arm_idx, color_idx, step_idx, arm_w, color_w, step_w, gamma, beta):
    token = jnp.take(arm_w, arm_idx, axis=0) + jnp.take(color_w, color_idx, axis=0) + jnp.take(step_w, step_idx, axis=0)
    out = _layernorm(token, gamma, beta)
    return out[:, None, :]

if __name__ == "__main__":
    import jax
    _d = setup_inputs()
    print(jax.jit(kernel)(*tuple(_d.values())))

</pallas_src>

<mosaic_0001>
#map = affine_map<(d0, d1) -> (0, 0)>
#map1 = affine_map<(d0, d1) -> (0)>
#map2 = affine_map<(d0, d1) -> (0, 0, 0)>
module attributes {stable_mosaic.version = 14 : i64} {
  func.func @gather_kernel(%arg0: i32, %arg1: i32, %arg2: memref<768x2048xf32, #tpu.memory_space<hbm>>, %arg3: memref<16384xi32, #tpu.memory_space<hbm>>, %arg4: memref<16384xi32, #tpu.memory_space<hbm>>, %arg5: memref<16384xi32, #tpu.memory_space<hbm>>, %arg6: memref<16384x1x2048xf32, #tpu.memory_space<hbm>>, %arg7: memref<512xi32, #tpu.memory_space<vmem>>, %arg8: memref<512xi32, #tpu.memory_space<vmem>>, %arg9: memref<512xi32, #tpu.memory_space<vmem>>, %arg10: memref<512xi32, #tpu.memory_space<vmem>>, %arg11: memref<3x16x2048xf32, #tpu.memory_space<vmem>>, %arg12: memref<!tpu.dma_semaphore, #tpu.memory_space<semaphore_mem>>, %arg13: memref<!tpu.dma_semaphore, #tpu.memory_space<semaphore_mem>>) attributes {dimension_semantics = [#tpu.dimension_semantics<core_parallel>, #tpu.dimension_semantics<subcore_parallel>], iteration_bounds = array<i64: 2, 16>, scalar_prefetch = 0 : i64, scratch_operands = 7 : i64, tpu.core_type = #tpu.core_type<sc_vector_subcore>, window_params = [{transform_indices = #map}, {transform_indices = #map1}, {transform_indices = #map1}, {transform_indices = #map1}, {transform_indices = #map2}]} {
    %mul3A = arith.constant 2 : i32
    %mul3A_0 = arith.muli %arg1, %mul3A : i32
    %add3A = arith.addi %mul3A_0, %arg0 : i32
    %mul3A_1 = arith.constant 512 : i32
    %mul3A_2 = arith.muli %add3A, %mul3A_1 : i32
    %dma_start3A = tpu.memref_slice %arg3[%mul3A_2] : memref<16384xi32, #tpu.memory_space<hbm>> -> memref<512xi32, #tpu.memory_space<hbm>>
    %dma_start3A_3 = tpu.memref_slice %arg3[%mul3A_2] : memref<16384xi32, #tpu.memory_space<hbm>> -> memref<512xi32, #tpu.memory_space<hbm>>
    tpu.enqueue_dma source(%dma_start3A_3 : memref<512xi32, #tpu.memory_space<hbm>>) target(%arg7 : memref<512xi32, #tpu.memory_space<vmem>>) target_semaphore(%arg12 : memref<!tpu.dma_semaphore, #tpu.memory_space<semaphore_mem>>)
    %dma_start3A_4 = tpu.memref_slice %arg4[%mul3A_2] : memref<16384xi32, #tpu.memory_space<hbm>> -> memref<512xi32, #tpu.memory_space<hbm>>
    %dma_start3A_5 = tpu.memref_slice %arg4[%mul3A_2] : memref<16384xi32, #tpu.memory_space<hbm>> -> memref<512xi32, #tpu.memory_space<hbm>>
    tpu.enqueue_dma source(%dma_start3A_5 : memref<512xi32, #tpu.memory_space<hbm>>) target(%arg8 : memref<512xi32, #tpu.memory_space<vmem>>) target_semaphore(%arg12 : memref<!tpu.dma_semaphore, #tpu.memory_space<semaphore_mem>>)
    %dma_start3A_6 = tpu.memref_slice %arg5[%mul3A_2] : memref<16384xi32, #tpu.memory_space<hbm>> -> memref<512xi32, #tpu.memory_space<hbm>>
    %dma_start3A_7 = tpu.memref_slice %arg5[%mul3A_2] : memref<16384xi32, #tpu.memory_space<hbm>> -> memref<512xi32, #tpu.memory_space<hbm>>
    tpu.enqueue_dma source(%dma_start3A_7 : memref<512xi32, #tpu.memory_space<hbm>>) target(%arg9 : memref<512xi32, #tpu.memory_space<vmem>>) target_semaphore(%arg12 : memref<!tpu.dma_semaphore, #tpu.memory_space<semaphore_mem>>)
    %dma_wait3A = tpu.memref_slice %arg3[%mul3A_2] : memref<16384xi32, #tpu.memory_space<hbm>> -> memref<512xi32, #tpu.memory_space<hbm>>
    %dma_wait3A_8 = tpu.memref_slice %arg3[%mul3A_2] : memref<16384xi32, #tpu.memory_space<hbm>> -> memref<512xi32, #tpu.memory_space<hbm>>
    tpu.wait_dma2 semaphore(%arg12 : memref<!tpu.dma_semaphore, #tpu.memory_space<semaphore_mem>>) src(%dma_wait3A_8 : memref<512xi32, #tpu.memory_space<hbm>>) dst(%arg7 : memref<512xi32, #tpu.memory_space<vmem>>)
    %dma_wait3A_9 = tpu.memref_slice %arg4[%mul3A_2] : memref<16384xi32, #tpu.memory_space<hbm>> -> memref<512xi32, #tpu.memory_space<hbm>>
    %dma_wait3A_10 = tpu.memref_slice %arg4[%mul3A_2] : memref<16384xi32, #tpu.memory_space<hbm>> -> memref<512xi32, #tpu.memory_space<hbm>>
    tpu.wait_dma2 semaphore(%arg12 : memref<!tpu.dma_semaphore, #tpu.memory_space<semaphore_mem>>) src(%dma_wait3A_10 : memref<512xi32, #tpu.memory_space<hbm>>) dst(%arg8 : memref<512xi32, #tpu.memory_space<vmem>>)
    %dma_wait3A_11 = tpu.memref_slice %arg5[%mul3A_2] : memref<16384xi32, #tpu.memory_space<hbm>> -> memref<512xi32, #tpu.memory_space<hbm>>
    %dma_wait3A_12 = tpu.memref_slice %arg5[%mul3A_2] : memref<16384xi32, #tpu.memory_space<hbm>> -> memref<512xi32, #tpu.memory_space<hbm>>
    tpu.wait_dma2 semaphore(%arg12 : memref<!tpu.dma_semaphore, #tpu.memory_space<semaphore_mem>>) src(%dma_wait3A_12 : memref<512xi32, #tpu.memory_space<hbm>>) dst(%arg9 : memref<512xi32, #tpu.memory_space<vmem>>)
    %scan3A = arith.constant 0 : i32
    %scan3A_13 = arith.constant 32 : i32
    %scan3A_14 = arith.addi %scan3A, %scan3A_13 : i32
    %scan3A_15 = arith.constant 1 : i32
    scf.for %scan3A_316 = %scan3A to %scan3A_14 step %scan3A_15  : i32 {
      %mul3A_317 = arith.constant 1 : i32
      %mul3A_318 = arith.muli %scan3A_316, %mul3A_317 : i32
      %add3A_319 = arith.constant 0 : i32
      %add3A_320 = arith.addi %add3A_319, %mul3A_318 : i32
      %mul3A_321 = arith.constant 16 : i32
      %mul3A_322 = arith.muli %add3A_320, %mul3A_321 : i32
      %get3A_323 = arith.index_cast %mul3A_322 : i32 to index
      %get3A_324 = tpu.vector_load %arg7[%get3A_323] {strides = array<i32>} : memref<512xi32, #tpu.memory_space<vmem>>, vector<16xi32>,
      %get3A_325 = vector.shape_cast %get3A_324 : vector<16xi32> to vector<16xi32>
      %mul3A_326 = arith.constant 16 : i32
      %mul3A_327 = vector.broadcast %mul3A_326 : i32 to vector<16xi32>
      %mul3A_328 = arith.muli %get3A_325, %mul3A_327 : vector<16xi32>
      %get3A_329 = arith.index_cast %mul3A_322 : i32 to index
      %get3A_330 = tpu.vector_load %arg8[%get3A_329] {strides = array<i32>} : memref<512xi32, #tpu.memory_space<vmem>>, vector<16xi32>,
      %get3A_331 = vector.shape_cast %get3A_330 : vector<16xi32> to vector<16xi32>
      %mul3A_332 = arith.constant 4 : i32
      %mul3A_333 = vector.broadcast %mul3A_332 : i32 to vector<16xi32>
      %mul3A_334 = arith.muli %get3A_331, %mul3A_333 : vector<16xi32>
      %add3A_335 = arith.addi %mul3A_328, %mul3A_334 : vector<16xi32>
      %get3A_336 = arith.index_cast %mul3A_322 : i32 to index
      %get3A_337 = tpu.vector_load %arg9[%get3A_336] {strides = array<i32>} : memref<512xi32, #tpu.memory_space<vmem>>, vector<16xi32>,
      %get3A_338 = vector.shape_cast %get3A_337 : vector<16xi32> to vector<16xi32>
      %add3A_339 = arith.addi %add3A_335, %get3A_338 : vector<16xi32>
      %jit3A = arith.constant 2 : i32
      %div3A = arith.divsi %add3A, %jit3A : i32
      %sign3A = arith.constant 0 : i32
      %sign3A_340 = arith.cmpi sgt, %add3A, %sign3A : i32
      %sign3A_341 = arith.extui %sign3A_340 : i1 to i32
      %sign3A_342 = arith.constant 0 : i32
      %sign3A_343 = arith.cmpi slt, %add3A, %sign3A_342 : i32
      %sign3A_344 = arith.extui %sign3A_343 : i1 to i32
      %sign3A_345 = arith.subi %sign3A_341, %sign3A_344 : i32
      %sign3A_346 = arith.constant 0 : i32
      %sign3A_347 = arith.cmpi sgt, %jit3A, %sign3A_346 : i32
      %sign3A_348 = arith.extui %sign3A_347 : i1 to i32
      %sign3A_349 = arith.constant 0 : i32
      %sign3A_350 = arith.cmpi slt, %jit3A, %sign3A_349 : i32
      %sign3A_351 = arith.extui %sign3A_350 : i1 to i32
      %sign3A_352 = arith.subi %sign3A_348, %sign3A_351 : i32
      %ne3A = arith.cmpi ne, %sign3A_345, %sign3A_352 : i32
      %rem3A = arith.remsi %add3A, %jit3A : i32
      %ne3A_353 = arith.constant 0 : i32
      %ne3A_354 = arith.cmpi ne, %rem3A, %ne3A_353 : i32
      %and3A = arith.andi %ne3A, %ne3A_354 : i1
      %sub3A = arith.constant 1 : i32
      %sub3A_355 = arith.subi %div3A, %sub3A : i32
      %select_n3A = arith.select %and3A, %sub3A_355, %div3A : i32
      %mul3A_356 = arith.constant 48 : i32
      %mul3A_357 = arith.muli %select_n3A, %mul3A_356 : i32
      %add3A_358 = vector.broadcast %mul3A_357 : i32 to vector<16xi32>
      %add3A_359 = arith.addi %add3A_339, %add3A_358 : vector<16xi32>
      %swap3A = arith.index_cast %mul3A_322 : i32 to index
      %swap3A_360 = tpu.vector_load %arg10[%swap3A] {strides = array<i32>} : memref<512xi32, #tpu.memory_space<vmem>>, vector<16xi32>,
      %swap3A_361 = vector.shape_cast %swap3A_360 : vector<16xi32> to vector<16xi32>
      %swap3A_362 = vector.shape_cast %add3A_359 : vector<16xi32> to vector<16xi32>
      tpu.vector_store %arg10[%swap3A], %swap3A_362 {strides = array<i32>} : memref<512xi32, #tpu.memory_space<vmem>>, vector<16xi32>,
    }
    %scan3A_16 = arith.constant 32 : i32
    %get3A = arith.constant 0 : index
    %get3A_17 = tpu.vector_load %arg10[%get3A] {strides = array<i32>} : memref<512xi32, #tpu.memory_space<vmem>>, vector<16xi32>,
    %get3A_18 = vector.shape_cast %get3A_17 : vector<16xi32> to vector<16xi32>
    %dma_start3A_19 = arith.constant 0 : i32
    %dma_start3A_20 = arith.constant 0 : i32
    %dma_start3A_21 = arith.constant 0 : i32
    %dma_start3A_22 = tpu.memref_slice %arg11[%dma_start3A_19, %dma_start3A_20, %dma_start3A_21] : memref<3x16x2048xf32, #tpu.memory_space<vmem>> -> memref<1x16x2048xf32, #tpu.memory_space<vmem>>
    %dma_start3A_23 = tpu.memref_squeeze %dma_start3A_22 : memref<1x16x2048xf32, #tpu.memory_space<vmem>> -> memref<16x2048xf32, #tpu.memory_space<vmem>>
    %dma_start3A_24 = arith.constant 0 : i32
    %dma_start3A_25 = arith.constant 0 : i32
    %dma_start3A_26 = tpu.memref_slice %arg2[%dma_start3A_24, %dma_start3A_25] : memref<768x2048xf32, #tpu.memory_space<hbm>> -> memref<768x2048xf32, #tpu.memory_space<hbm>>
    tpu.enqueue_indirect_dma source(%dma_start3A_26 : memref<768x2048xf32, #tpu.memory_space<hbm>>) target(%dma_start3A_23 : memref<16x2048xf32, #tpu.memory_space<vmem>>) offsets(%get3A_18 : vector<16xi32>) semaphore(%arg12 : memref<!tpu.dma_semaphore, #tpu.memory_space<semaphore_mem>>)
    %get3A_27 = arith.constant 16 : index
    %get3A_28 = tpu.vector_load %arg10[%get3A_27] {strides = array<i32>} : memref<512xi32, #tpu.memory_space<vmem>>, vector<16xi32>,
    %get3A_29 = vector.shape_cast %get3A_28 : vector<16xi32> to vector<16xi32>
    %dma_start3A_30 = arith.constant 1 : i32
    %dma_start3A_31 = arith.constant 0 : i32
    %dma_start3A_32 = arith.constant 0 : i32
    %dma_start3A_33 = tpu.memref_slice %arg11[%dma_start3A_30, %dma_start3A_31, %dma_start3A_32] : memref<3x16x2048xf32, #tpu.memory_space<vmem>> -> memref<1x16x2048xf32, #tpu.memory_space<vmem>>
    %dma_start3A_34 = tpu.memref_squeeze %dma_start3A_33 : memref<1x16x2048xf32, #tpu.memory_space<vmem>> -> memref<16x2048xf32, #tpu.memory_space<vmem>>
    %dma_start3A_35 = arith.constant 0 : i32
    %dma_start3A_36 = arith.constant 0 : i32
    %dma_start3A_37 = tpu.memref_slice %arg2[%dma_start3A_35, %dma_start3A_36] : memref<768x2048xf32, #tpu.memory_space<hbm>> -> memref<768x2048xf32, #tpu.memory_space<hbm>>
    tpu.enqueue_indirect_dma source(%dma_start3A_37 : memref<768x2048xf32, #tpu.memory_space<hbm>>) target(%dma_start3A_34 : memref<16x2048xf32, #tpu.memory_space<vmem>>) offsets(%get3A_29 : vector<16xi32>) semaphore(%arg12 : memref<!tpu.dma_semaphore, #tpu.memory_space<semaphore_mem>>)
    %get3A_38 = arith.constant 32 : index
    %get3A_39 = tpu.vector_load %arg10[%get3A_38] {strides = array<i32>} : memref<512xi32, #tpu.memory_space<vmem>>, vector<16xi32>,
    %get3A_40 = vector.shape_cast %get3A_39 : vector<16xi32> to vector<16xi32>
    %dma_start3A_41 = arith.constant 2 : i32
    %dma_start3A_42 = arith.constant 0 : i32
    %dma_start3A_43 = arith.constant 0 : i32
    %dma_start3A_44 = tpu.memref_slice %arg11[%dma_start3A_41, %dma_start3A_42, %dma_start3A_43] : memref<3x16x2048xf32, #tpu.memory_space<vmem>> -> memref<1x16x2048xf32, #tpu.memory_space<vmem>>
    %dma_start3A_45 = tpu.memref_squeeze %dma_start3A_44 : memref<1x16x2048xf32, #tpu.memory_space<vmem>> -> memref<16x2048xf32, #tpu.memory_space<vmem>>
    %dma_start3A_46 = arith.constant 0 : i32
    %dma_start3A_47 = arith.constant 0 : i32
    %dma_start3A_48 = tpu.memref_slice %arg2[%dma_start3A_46, %dma_start3A_47] : memref<768x2048xf32, #tpu.memory_space<hbm>> -> memref<768x2048xf32, #tpu.memory_space<hbm>>
    tpu.enqueue_indirect_dma source(%dma_start3A_48 : memref<768x2048xf32, #tpu.memory_space<hbm>>) target(%dma_start3A_45 : memref<16x2048xf32, #tpu.memory_space<vmem>>) offsets(%get3A_40 : vector<16xi32>) semaphore(%arg12 : memref<!tpu.dma_semaphore, #tpu.memory_space<semaphore_mem>>)
    %dma_wait3A_49 = arith.constant 0 : i32
    %dma_wait3A_50 = arith.constant 0 : i32
    %dma_wait3A_51 = arith.constant 0 : i32
    %dma_wait3A_52 = tpu.memref_slice %arg11[%dma_wait3A_49, %dma_wait3A_50, %dma_wait3A_51] : memref<3x16x2048xf32, #tpu.memory_space<vmem>> -> memref<1x16x2048xf32, #tpu.memory_space<vmem>>
    %dma_wait3A_53 = tpu.memref_squeeze %dma_wait3A_52 : memref<1x16x2048xf32, #tpu.memory_space<vmem>> -> memref<16x2048xf32, #tpu.memory_space<vmem>>
    %dma_wait3A_54 = arith.constant 0 : i32
    %dma_wait3A_55 = arith.constant 0 : i32
    %dma_wait3A_56 = tpu.memref_slice %arg2[%dma_wait3A_54, %dma_wait3A_55] : memref<768x2048xf32, #tpu.memory_space<hbm>> -> memref<16x2048xf32, #tpu.memory_space<hbm>>
    %dma_wait3A_57 = arith.constant 0 : i32
    %dma_wait3A_58 = arith.constant 0 : i32
    %dma_wait3A_59 = tpu.memref_slice %arg11[%dma_wait3A_49, %dma_wait3A_57, %dma_wait3A_58] : memref<3x16x2048xf32, #tpu.memory_space<vmem>> -> memref<1x16x2048xf32, #tpu.memory_space<vmem>>
    %dma_wait3A_60 = tpu.memref_squeeze %dma_wait3A_59 : memref<1x16x2048xf32, #tpu.memory_space<vmem>> -> memref<16x2048xf32, #tpu.memory_space<vmem>>
    %dma_wait3A_61 = arith.constant 0 : i32
    %dma_wait3A_62 = arith.constant 0 : i32
    %dma_wait3A_63 = tpu.memref_slice %arg2[%dma_wait3A_61, %dma_wait3A_62] : memref<768x2048xf32, #tpu.memory_space<hbm>> -> memref<16x2048xf32, #tpu.memory_space<hbm>>
    tpu.wait_dma2 semaphore(%arg12 : memref<!tpu.dma_semaphore, #tpu.memory_space<semaphore_mem>>) src(%dma_wait3A_63 : memref<16x2048xf32, #tpu.memory_space<hbm>>) dst(%dma_wait3A_60 : memref<16x2048xf32, #tpu.memory_space<vmem>>)
    %add3A_64 = arith.constant 0 : i32
    %add3A_65 = arith.addi %mul3A_2, %add3A_64 : i32
    %dma_start3A_66 = arith.constant 0 : i32
    %dma_start3A_67 = arith.constant 0 : i32
    %dma_start3A_68 = arith.constant 0 : i32
    %dma_start3A_69 = arith.constant 0 : i32
    %dma_start3A_70 = tpu.memref_slice %arg11[%dma_start3A_66, %dma_start3A_68, %dma_start3A_69] : memref<3x16x2048xf32, #tpu.memory_space<vmem>> -> memref<1x16x2048xf32, #tpu.memory_space<vmem>>
    %dma_start3A_71 = tpu.memref_squeeze %dma_start3A_70 : memref<1x16x2048xf32, #tpu.memory_space<vmem>> -> memref<16x2048xf32, #tpu.memory_space<vmem>>
    %dma_start3A_72 = arith.constant 0 : i32
    %dma_start3A_73 = tpu.memref_slice %arg6[%add3A_65, %dma_start3A_67, %dma_start3A_72] : memref<16384x1x2048xf32, #tpu.memory_space<hbm>> -> memref<16x1x2048xf32, #tpu.memory_space<hbm>>
    %dma_start3A_74 = tpu.memref_squeeze %dma_start3A_73 : memref<16x1x2048xf32, #tpu.memory_space<hbm>> -> memref<16x2048xf32, #tpu.memory_space<hbm>>
    %dma_start3A_75 = arith.constant 0 : i32
    %dma_start3A_76 = tpu.memref_slice %arg6[%add3A_65, %dma_start3A_67, %dma_start3A_75] : memref<16384x1x2048xf32, #tpu.memory_space<hbm>> -> memref<16x1x2048xf32, #tpu.memory_space<hbm>>
    %dma_start3A_77 = tpu.memref_squeeze %dma_start3A_76 : memref<16x1x2048xf32, #tpu.memory_space<hbm>> -> memref<16x2048xf32, #tpu.memory_space<hbm>>
    %dma_start3A_78 = arith.constant 0 : i32
    %dma_start3A_79 = arith.constant 0 : i32
    %dma_start3A_80 = tpu.memref_slice %arg11[%dma_start3A_66, %dma_start3A_78, %dma_start3A_79] : memref<3x16x2048xf32, #tpu.memory_space<vmem>> -> memref<1x16x2048xf32, #tpu.memory_space<vmem>>
    %dma_start3A_81 = tpu.memref_squeeze %dma_start3A_80 : memref<1x16x2048xf32, #tpu.memory_space<vmem>> -> memref<16x2048xf32, #tpu.memory_space<vmem>>
    tpu.enqueue_dma source(%dma_start3A_81 : memref<16x2048xf32, #tpu.memory_space<vmem>>) target(%dma_start3A_77 : memref<16x2048xf32, #tpu.memory_space<hbm>>) target_semaphore(%arg13 : memref<!tpu.dma_semaphore, #tpu.memory_space<semaphore_mem>>)
    %scan3A_82 = arith.constant 0 : i32
    %scan3A_83 = arith.constant 9 : i32
    %scan3A_84 = arith.addi %scan3A_82, %scan3A_83 : i32
    %scan3A_85 = arith.constant 1 : i32
    scf.for %scan3A_316 = %scan3A_82 to %scan3A_84 step %scan3A_85  : i32 {
      %mul3A_317 = arith.constant 3 : i32
      %mul3A_318 = arith.muli %scan3A_316, %mul3A_317 : i32
      %add3A_319 = arith.constant 1 : i32
      %add3A_320 = arith.addi %add3A_319, %mul3A_318 : i32
      %add3A_321 = arith.constant 0 : i32
      %add3A_322 = arith.addi %add3A_320, %add3A_321 : i32
      %dma_wait3A_323 = arith.constant 1 : i32
      %dma_wait3A_324 = arith.constant 0 : i32
      %dma_wait3A_325 = arith.constant 0 : i32
      %dma_wait3A_326 = tpu.memref_slice %arg11[%dma_wait3A_323, %dma_wait3A_324, %dma_wait3A_325] : memref<3x16x2048xf32, #tpu.memory_space<vmem>> -> memref<1x16x2048xf32, #tpu.memory_space<vmem>>
      %dma_wait3A_327 = tpu.memref_squeeze %dma_wait3A_326 : memref<1x16x2048xf32, #tpu.memory_space<vmem>> -> memref<16x2048xf32, #tpu.memory_space<vmem>>
      %dma_wait3A_328 = arith.constant 0 : i32
      %dma_wait3A_329 = arith.constant 0 : i32
      %dma_wait3A_330 = tpu.memref_slice %arg2[%dma_wait3A_328, %dma_wait3A_329] : memref<768x2048xf32, #tpu.memory_space<hbm>> -> memref<16x2048xf32, #tpu.memory_space<hbm>>
      %dma_wait3A_331 = arith.constant 0 : i32
      %dma_wait3A_332 = arith.constant 0 : i32
      %dma_wait3A_333 = tpu.memref_slice %arg11[%dma_wait3A_323, %dma_wait3A_331, %dma_wait3A_332] : memref<3x16x2048xf32, #tpu.memory_space<vmem>> -> memref<1x16x2048xf32, #tpu.memory_space<vmem>>
      %dma_wait3A_334 = tpu.memref_squeeze %dma_wait3A_333 : memref<1x16x2048xf32, #tpu.memory_space<vmem>> -> memref<16x2048xf32, #tpu.memory_space<vmem>>
      %dma_wait3A_335 = arith.constant 0 : i32
      %dma_wait3A_336 = arith.constant 0 : i32
      %dma_wait3A_337 = tpu.memref_slice %arg2[%dma_wait3A_335, %dma_wait3A_336] : memref<768x2048xf32, #tpu.memory_space<hbm>> -> memref<16x2048xf32, #tpu.memory_space<hbm>>
      tpu.wait_dma2 semaphore(%arg12 : memref<!tpu.dma_semaphore, #tpu.memory_space<semaphore_mem>>) src(%dma_wait3A_337 : memref<16x2048xf32, #tpu.memory_space<hbm>>) dst(%dma_wait3A_334 : memref<16x2048xf32, #tpu.memory_space<vmem>>)
      %mul3A_338 = arith.constant 16 : i32
      %mul3A_339 = arith.muli %add3A_322, %mul3A_338 : i32
      %add3A_340 = arith.addi %mul3A_2, %mul3A_339 : i32
      %dma_start3A_341 = arith.constant 1 : i32
      %dma_start3A_342 = arith.constant 0 : i32
      %dma_start3A_343 = arith.constant 0 : i32
      %dma_start3A_344 = arith.constant 0 : i32
      %dma_start3A_345 = tpu.memref_slice %arg11[%dma_start3A_341, %dma_start3A_343, %dma_start3A_344] : memref<3x16x2048xf32, #tpu.memory_space<vmem>> -> memref<1x16x2048xf32, #tpu.memory_space<vmem>>
      %dma_start3A_346 = tpu.memref_squeeze %dma_start3A_345 : memref<1x16x2048xf32, #tpu.memory_space<vmem>> -> memref<16x2048xf32, #tpu.memory_space<vmem>>
      %dma_start3A_347 = arith.constant 0 : i32
      %dma_start3A_348 = tpu.memref_slice %arg6[%add3A_340, %dma_start3A_342, %dma_start3A_347] : memref<16384x1x2048xf32, #tpu.memory_space<hbm>> -> memref<16x1x2048xf32, #tpu.memory_space<hbm>>
      %dma_start3A_349 = tpu.memref_squeeze %dma_start3A_348 : memref<16x1x2048xf32, #tpu.memory_space<hbm>> -> memref<16x2048xf32, #tpu.memory_space<hbm>>
      %dma_start3A_350 = arith.constant 0 : i32
      %dma_start3A_351 = tpu.memref_slice %arg6[%add3A_340, %dma_start3A_342, %dma_start3A_350] : memref<16384x1x2048xf32, #tpu.memory_space<hbm>> -> memref<16x1x2048xf32, #tpu.memory_space<hbm>>
      %dma_start3A_352 = tpu.memref_squeeze %dma_start3A_351 : memref<16x1x2048xf32, #tpu.memory_space<hbm>> -> memref<16x2048xf32, #tpu.memory_space<hbm>>
      %dma_start3A_353 = arith.constant 0 : i32
      %dma_start3A_354 = arith.constant 0 : i32
      %dma_start3A_355 = tpu.memref_slice %arg11[%dma_start3A_341, %dma_start3A_353, %dma_start3A_354] : memref<3x16x2048xf32, #tpu.memory_space<vmem>> -> memref<1x16x2048xf32, #tpu.memory_space<vmem>>
      %dma_start3A_356 = tpu.memref_squeeze %dma_start3A_355 : memref<1x16x2048xf32, #tpu.memory_space<vmem>> -> memref<16x2048xf32, #tpu.memory_space<vmem>>
      tpu.enqueue_dma source(%dma_start3A_356 : memref<16x2048xf32, #tpu.memory_space<vmem>>) target(%dma_start3A_352 : memref<16x2048xf32, #tpu.memory_space<hbm>>) target_semaphore(%arg13 : memref<!tpu.dma_semaphore, #tpu.memory_space<semaphore_mem>>)
      %dma_wait3A_357 = arith.constant 1 : i32
      %dma_wait3A_358 = arith.constant 0 : i32
      %dma_wait3A_359 = arith.constant 0 : i32
      %dma_wait3A_360 = tpu.memref_slice %arg11[%dma_wait3A_357, %dma_wait3A_358, %dma_wait3A_359] : memref<3x16x2048xf32, #tpu.memory_space<vmem>> -> memref<1x16x2048xf32, #tpu.memory_space<vmem>>
      %dma_wait3A_361 = tpu.memref_squeeze %dma_wait3A_360 : memref<1x16x2048xf32, #tpu.memory_space<vmem>> -> memref<16x2048xf32, #tpu.memory_space<vmem>>
      %dma_wait3A_362 = arith.constant 0 : i32
      %dma_wait3A_363 = arith.constant 0 : i32
      %dma_wait3A_364 = tpu.memref_slice %arg2[%dma_wait3A_362, %dma_wait3A_363] : memref<768x2048xf32, #tpu.memory_space<hbm>> -> memref<16x2048xf32, #tpu.memory_space<hbm>>
      %dma_wait3A_365 = arith.constant 0 : i32
      %dma_wait3A_366 = arith.constant 0 : i32
      %dma_wait3A_367 = tpu.memref_slice %arg11[%dma_wait3A_357, %dma_wait3A_365, %dma_wait3A_366] : memref<3x16x2048xf32, #tpu.memory_space<vmem>> -> memref<1x16x2048xf32, #tpu.memory_space<vmem>>
      %dma_wait3A_368 = tpu.memref_squeeze %dma_wait3A_367 : memref<1x16x2048xf32, #tpu.memory_space<vmem>> -> memref<16x2048xf32, #tpu.memory_space<vmem>>
      %dma_wait3A_369 = arith.constant 0 : i32
      %dma_wait3A_370 = arith.constant 0 : i32
      %dma_wait3A_371 = tpu.memref_slice %arg2[%dma_wait3A_369, %dma_wait3A_370] : memref<768x2048xf32, #tpu.memory_space<hbm>> -> memref<16x2048xf32, #tpu.memory_space<hbm>>
      tpu.wait_dma2 semaphore(%arg13 : memref<!tpu.dma_semaphore, #tpu.memory_space<semaphore_mem>>) src(%dma_wait3A_371 : memref<16x2048xf32, #tpu.memory_space<hbm>>) dst(%dma_wait3A_368 : memref<16x2048xf32, #tpu.memory_space<vmem>>)
      %add3A_372 = arith.constant 3 : i32
      %add3A_373 = arith.addi %add3A_322, %add3A_372 : i32
      %sub3A = arith.constant 1 : i32
      %sub3A_374 = arith.subi %add3A_373, %sub3A : i32
      %add3A_375 = arith.constant 3 : i32
      %add3A_376 = arith.addi %add3A_322, %add3A_375 : i32
      %sub3A_377 = arith.constant 1 : i32
      %sub3A_378 = arith.subi %add3A_376, %sub3A_377 : i32
      %jit3A = arith.constant 3 : i32
      %eq3A = arith.constant 0 : i32
      %eq3A_379 = arith.cmpi eq, %jit3A, %eq3A : i32
      %jit3A_380 = arith.constant 1 : i32
      %select_n3A = arith.select %eq3A_379, %jit3A_380, %jit3A : i32
      %rem3A = arith.remsi %sub3A_378, %select_n3A : i32
      %ne3A = arith.constant 0 : i32
      %ne3A_381 = arith.cmpi ne, %rem3A, %ne3A : i32
      %lt3A = arith.constant 0 : i32
      %lt3A_382 = arith.cmpi slt, %rem3A, %lt3A : i32
      %lt3A_383 = arith.constant 0 : i32
      %lt3A_384 = arith.cmpi slt, %select_n3A, %lt3A_383 : i32
      %ne3A_385 = arith.xori %lt3A_382, %lt3A_384 : i1
      %and3A = arith.andi %ne3A_385, %ne3A_381 : i1
      %add3A_386 = arith.addi %rem3A, %select_n3A : i32
      %select_n3A_387 = arith.select %and3A, %add3A_386, %rem3A : i32
      %mul3A_388 = arith.constant 16 : i32
      %mul3A_389 = arith.muli %sub3A_374, %mul3A_388 : i32
      %get3A_390 = arith.index_cast %mul3A_389 : i32 to index
      %get3A_391 = tpu.vector_load %arg10[%get3A_390] {strides = array<i32>} : memref<512xi32, #tpu.memory_space<vmem>>, vector<16xi32>,
      %get3A_392 = vector.shape_cast %get3A_391 : vector<16xi32> to vector<16xi32>
      %dma_start3A_393 = arith.constant 0 : i32
      %dma_start3A_394 = arith.constant 0 : i32
      %dma_start3A_395 = tpu.memref_slice %arg11[%select_n3A_387, %dma_start3A_393, %dma_start3A_394] : memref<3x16x2048xf32, #tpu.memory_space<vmem>> -> memref<1x16x2048xf32, #tpu.memory_space<vmem>>
      %dma_start3A_396 = tpu.memref_squeeze %dma_start3A_395 : memref<1x16x2048xf32, #tpu.memory_space<vmem>> -> memref<16x2048xf32, #tpu.memory_space<vmem>>
      %dma_start3A_397 = arith.constant 0 : i32
      %dma_start3A_398 = arith.constant 0 : i32
      %dma_start3A_399 = tpu.memref_slice %arg2[%dma_start3A_397, %dma_start3A_398] : memref<768x2048xf32, #tpu.memory_space<hbm>> -> memref<768x2048xf32, #tpu.memory_space<hbm>>
      tpu.enqueue_indirect_dma source(%dma_start3A_399 : memref<768x2048xf32, #tpu.memory_space<hbm>>) target(%dma_start3A_396 : memref<16x2048xf32, #tpu.memory_space<vmem>>) offsets(%get3A_392 : vector<16xi32>) semaphore(%arg12 : memref<!tpu.dma_semaphore, #tpu.memory_space<semaphore_mem>>)
      %add3A_400 = arith.constant 1 : i32
      %add3A_401 = arith.addi %add3A_320, %add3A_400 : i32
      %dma_wait3A_402 = arith.constant 2 : i32
      %dma_wait3A_403 = arith.constant 0 : i32
      %dma_wait3A_404 = arith.constant 0 : i32
      %dma_wait3A_405 = tpu.memref_slice %arg11[%dma_wait3A_402, %dma_wait3A_403, %dma_wait3A_404] : memref<3x16x2048xf32, #tpu.memory_space<vmem>> -> memref<1x16x2048xf32, #tpu.memory_space<vmem>>
      %dma_wait3A_406 = tpu.memref_squeeze %dma_wait3A_405 : memref<1x16x2048xf32, #tpu.memory_space<vmem>> -> memref<16x2048xf32, #tpu.memory_space<vmem>>
      %dma_wait3A_407 = arith.constant 0 : i32
      %dma_wait3A_408 = arith.constant 0 : i32
      %dma_wait3A_409 = tpu.memref_slice %arg2[%dma_wait3A_407, %dma_wait3A_408] : memref<768x2048xf32, #tpu.memory_space<hbm>> -> memref<16x2048xf32, #tpu.memory_space<hbm>>
      %dma_wait3A_410 = arith.constant 0 : i32
      %dma_wait3A_411 = arith.constant 0 : i32
      %dma_wait3A_412 = tpu.memref_slice %arg11[%dma_wait3A_402, %dma_wait3A_410, %dma_wait3A_411] : memref<3x16x2048xf32, #tpu.memory_space<vmem>> -> memref<1x16x2048xf32, #tpu.memory_space<vmem>>
      %dma_wait3A_413 = tpu.memref_squeeze %dma_wait3A_412 : memref<1x16x2048xf32, #tpu.memory_space<vmem>> -> memref<16x2048xf32, #tpu.memory_space<vmem>>
      %dma_wait3A_414 = arith.constant 0 : i32
      %dma_wait3A_415 = arith.constant 0 : i32
      %dma_wait3A_416 = tpu.memref_slice %arg2[%dma_wait3A_414, %dma_wait3A_415] : memref<768x2048xf32, #tpu.memory_space<hbm>> -> memref<16x2048xf32, #tpu.memory_space<hbm>>
      tpu.wait_dma2 semaphore(%arg12 : memref<!tpu.dma_semaphore, #tpu.memory_space<semaphore_mem>>) src(%dma_wait3A_416 : memref<16x2048xf32, #tpu.memory_space<hbm>>) dst(%dma_wait3A_413 : memref<16x2048xf32, #tpu.memory_space<vmem>>)
      %mul3A_417 = arith.constant 16 : i32
      %mul3A_418 = arith.muli %add3A_401, %mul3A_417 : i32
      %add3A_419 = arith.addi %mul3A_2, %mul3A_418 : i32
      %dma_start3A_420 = arith.constant 2 : i32
      %dma_start3A_421 = arith.constant 0 : i32
      %dma_start3A_422 = arith.constant 0 : i32
      %dma_start3A_423 = arith.constant 0 : i32
      %dma_start3A_424 = tpu.memref_slice %arg11[%dma_start3A_420, %dma_start3A_422, %dma_start3A_423] : memref<3x16x2048xf32, #tpu.memory_space<vmem>> -> memref<1x16x2048xf32, #tpu.memory_space<vmem>>
      %dma_start3A_425 = tpu.memref_squeeze %dma_start3A_424 : memref<1x16x2048xf32, #tpu.memory_space<vmem>> -> memref<16x2048xf32, #tpu.memory_space<vmem>>
      %dma_start3A_426 = arith.constant 0 : i32
      %dma_start3A_427 = tpu.memref_slice %arg6[%add3A_419, %dma_start3A_421, %dma_start3A_426] : memref<16384x1x2048xf32, #tpu.memory_space<hbm>> -> memref<16x1x2048xf32, #tpu.memory_space<hbm>>
      %dma_start3A_428 = tpu.memref_squeeze %dma_start3A_427 : memref<16x1x2048xf32, #tpu.memory_space<hbm>> -> memref<16x2048xf32, #tpu.memory_space<hbm>>
      %dma_start3A_429 = arith.constant 0 : i32
      %dma_start3A_430 = tpu.memref_slice %arg6[%add3A_419, %dma_start3A_421, %dma_start3A_429] : memref<16384x1x2048xf32, #tpu.memory_space<hbm>> -> memref<16x1x2048xf32, #tpu.memory_space<hbm>>
      %dma_start3A_431 = tpu.memref_squeeze %dma_start3A_430 : memref<16x1x2048xf32, #tpu.memory_space<hbm>> -> memref<16x2048xf32, #tpu.memory_space<hbm>>
      %dma_start3A_432 = arith.constant 0 : i32
      %dma_start3A_433 = arith.constant 0 : i32
      %dma_start3A_434 = tpu.memref_slice %arg11[%dma_start3A_420, %dma_start3A_432, %dma_start3A_433] : memref<3x16x2048xf32, #tpu.memory_space<vmem>> -> memref<1x16x2048xf32, #tpu.memory_space<vmem>>
      %dma_start3A_435 = tpu.memref_squeeze %dma_start3A_434 : memref<1x16x2048xf32, #tpu.memory_space<vmem>> -> memref<16x2048xf32, #tpu.memory_space<vmem>>
      tpu.enqueue_dma source(%dma_start3A_435 : memref<16x2048xf32, #tpu.memory_space<vmem>>) target(%dma_start3A_431 : memref<16x2048xf32, #tpu.memory_space<hbm>>) target_semaphore(%arg13 : memref<!tpu.dma_semaphore, #tpu.memory_space<semaphore_mem>>)
      %dma_wait3A_436 = arith.constant 2 : i32
      %dma_wait3A_437 = arith.constant 0 : i32
      %dma_wait3A_438 = arith.constant 0 : i32
      %dma_wait3A_439 = tpu.memref_slice %arg11[%dma_wait3A_436, %dma_wait3A_437, %dma_wait3A_438] : memref<3x16x2048xf32, #tpu.memory_space<vmem>> -> memref<1x16x2048xf32, #tpu.memory_space<vmem>>
      %dma_wait3A_440 = tpu.memref_squeeze %dma_wait3A_439 : memref<1x16x2048xf32, #tpu.memory_space<vmem>> -> memref<16x2048xf32, #tpu.memory_space<vmem>>
      %dma_wait3A_441 = arith.constant 0 : i32
      %dma_wait3A_442 = arith.constant 0 : i32
      %dma_wait3A_443 = tpu.memref_slice %arg2[%dma_wait3A_441, %dma_wait3A_442] : memref<768x2048xf32, #tpu.memory_space<hbm>> -> memref<16x2048xf32, #tpu.memory_space<hbm>>
      %dma_wait3A_444 = arith.constant 0 : i32
      %dma_wait3A_445 = arith.constant 0 : i32
      %dma_wait3A_446 = tpu.memref_slice %arg11[%dma_wait3A_436, %dma_wait3A_444, %dma_wait3A_445] : memref<3x16x2048xf32, #tpu.memory_space<vmem>> -> memref<1x16x2048xf32, #tpu.memory_space<vmem>>
      %dma_wait3A_447 = tpu.memref_squeeze %dma_wait3A_446 : memref<1x16x2048xf32, #tpu.memory_space<vmem>> -> memref<16x2048xf32, #tpu.memory_space<vmem>>
      %dma_wait3A_448 = arith.constant 0 : i32
      %dma_wait3A_449 = arith.constant 0 : i32
      %dma_wait3A_450 = tpu.memref_slice %arg2[%dma_wait3A_448, %dma_wait3A_449] : memref<768x2048xf32, #tpu.memory_space<hbm>> -> memref<16x2048xf32, #tpu.memory_space<hbm>>
      tpu.wait_dma2 semaphore(%arg13 : memref<!tpu.dma_semaphore, #tpu.memory_space<semaphore_mem>>) src(%dma_wait3A_450 : memref<16x2048xf32, #tpu.memory_space<hbm>>) dst(%dma_wait3A_447 : memref<16x2048xf32, #tpu.memory_space<vmem>>)
      %add3A_451 = arith.constant 3 : i32
      %add3A_452 = arith.addi %add3A_401, %add3A_451 : i32
      %sub3A_453 = arith.constant 1 : i32
      %sub3A_454 = arith.subi %add3A_452, %sub3A_453 : i32
      %add3A_455 = arith.constant 3 : i32
      %add3A_456 = arith.addi %add3A_401, %add3A_455 : i32
      %sub3A_457 = arith.constant 1 : i32
      %sub3A_458 = arith.subi %add3A_456, %sub3A_457 : i32
      %jit3A_459 = arith.constant 3 : i32
      %eq3A_460 = arith.constant 0 : i32
      %eq3A_461 = arith.cmpi eq, %jit3A_459, %eq3A_460 : i32
      %jit3A_462 = arith.constant 1 : i32
      %select_n3A_463 = arith.select %eq3A_461, %jit3A_462, %jit3A_459 : i32
      %rem3A_464 = arith.remsi %sub3A_458, %select_n3A_463 : i32
      %ne3A_465 = arith.constant 0 : i32
      %ne3A_466 = arith.cmpi ne, %rem3A_464, %ne3A_465 : i32
      %lt3A_467 = arith.constant 0 : i32
      %lt3A_468 = arith.cmpi slt, %rem3A_464, %lt3A_467 : i32
      %lt3A_469 = arith.constant 0 : i32
      %lt3A_470 = arith.cmpi slt, %select_n3A_463, %lt3A_469 : i32
      %ne3A_471 = arith.xori %lt3A_468, %lt3A_470 : i1
      %and3A_472 = arith.andi %ne3A_471, %ne3A_466 : i1
      %add3A_473 = arith.addi %rem3A_464, %select_n3A_463 : i32
      %select_n3A_474 = arith.select %and3A_472, %add3A_473, %rem3A_464 : i32
      %mul3A_475 = arith.constant 16 : i32
      %mul3A_476 = arith.muli %sub3A_454, %mul3A_475 : i32
      %get3A_477 = arith.index_cast %mul3A_476 : i32 to index
      %get3A_478 = tpu.vector_load %arg10[%get3A_477] {strides = array<i32>} : memref<512xi32, #tpu.memory_space<vmem>>, vector<16xi32>,
      %get3A_479 = vector.shape_cast %get3A_478 : vector<16xi32> to vector<16xi32>
      %dma_start3A_480 = arith.constant 0 : i32
      %dma_start3A_481 = arith.constant 0 : i32
      %dma_start3A_482 = tpu.memref_slice %arg11[%select_n3A_474, %dma_start3A_480, %dma_start3A_481] : memref<3x16x2048xf32, #tpu.memory_space<vmem>> -> memref<1x16x2048xf32, #tpu.memory_space<vmem>>
      %dma_start3A_483 = tpu.memref_squeeze %dma_start3A_482 : memref<1x16x2048xf32, #tpu.memory_space<vmem>> -> memref<16x2048xf32, #tpu.memory_space<vmem>>
      %dma_start3A_484 = arith.constant 0 : i32
      %dma_start3A_485 = arith.constant 0 : i32
      %dma_start3A_486 = tpu.memref_slice %arg2[%dma_start3A_484, %dma_start3A_485] : memref<768x2048xf32, #tpu.memory_space<hbm>> -> memref<768x2048xf32, #tpu.memory_space<hbm>>
      tpu.enqueue_indirect_dma source(%dma_start3A_486 : memref<768x2048xf32, #tpu.memory_space<hbm>>) target(%dma_start3A_483 : memref<16x2048xf32, #tpu.memory_space<vmem>>) offsets(%get3A_479 : vector<16xi32>) semaphore(%arg12 : memref<!tpu.dma_semaphore, #tpu.memory_space<semaphore_mem>>)
      %add3A_487 = arith.constant 2 : i32
      %add3A_488 = arith.addi %add3A_320, %add3A_487 : i32
      %dma_wait3A_489 = arith.constant 0 : i32
      %dma_wait3A_490 = arith.constant 0 : i32
      %dma_wait3A_491 = arith.constant 0 : i32
      %dma_wait3A_492 = tpu.memref_slice %arg11[%dma_wait3A_489, %dma_wait3A_490, %dma_wait3A_491] : memref<3x16x2048xf32, #tpu.memory_space<vmem>> -> memref<1x16x2048xf32, #tpu.memory_space<vmem>>
      %dma_wait3A_493 = tpu.memref_squeeze %dma_wait3A_492 : memref<1x16x2048xf32, #tpu.memory_space<vmem>> -> memref<16x2048xf32, #tpu.memory_space<vmem>>
      %dma_wait3A_494 = arith.constant 0 : i32
      %dma_wait3A_495 = arith.constant 0 : i32
      %dma_wait3A_496 = tpu.memref_slice %arg2[%dma_wait3A_494, %dma_wait3A_495] : memref<768x2048xf32, #tpu.memory_space<hbm>> -> memref<16x2048xf32, #tpu.memory_space<hbm>>
      %dma_wait3A_497 = arith.constant 0 : i32
      %dma_wait3A_498 = arith.constant 0 : i32
      %dma_wait3A_499 = tpu.memref_slice %arg11[%dma_wait3A_489, %dma_wait3A_497, %dma_wait3A_498] : memref<3x16x2048xf32, #tpu.memory_space<vmem>> -> memref<1x16x2048xf32, #tpu.memory_space<vmem>>
      %dma_wait3A_500 = tpu.memref_squeeze %dma_wait3A_499 : memref<1x16x2048xf32, #tpu.memory_space<vmem>> -> memref<16x2048xf32, #tpu.memory_space<vmem>>
      %dma_wait3A_501 = arith.constant 0 : i32
      %dma_wait3A_502 = arith.constant 0 : i32
      %dma_wait3A_503 = tpu.memref_slice %arg2[%dma_wait3A_501, %dma_wait3A_502] : memref<768x2048xf32, #tpu.memory_space<hbm>> -> memref<16x2048xf32, #tpu.memory_space<hbm>>
      tpu.wait_dma2 semaphore(%arg12 : memref<!tpu.dma_semaphore, #tpu.memory_space<semaphore_mem>>) src(%dma_wait3A_503 : memref<16x2048xf32, #tpu.memory_space<hbm>>) dst(%dma_wait3A_500 : memref<16x2048xf32, #tpu.memory_space<vmem>>)
      %mul3A_504 = arith.constant 16 : i32
      %mul3A_505 = arith.muli %add3A_488, %mul3A_504 : i32
      %add3A_506 = arith.addi %mul3A_2, %mul3A_505 : i32
      %dma_start3A_507 = arith.constant 0 : i32
      %dma_start3A_508 = arith.constant 0 : i32
      %dma_start3A_509 = arith.constant 0 : i32
      %dma_start3A_510 = arith.constant 0 : i32
      %dma_start3A_511 = tpu.memref_slice %arg11[%dma_start3A_507, %dma_start3A_509, %dma_start3A_510] : memref<3x16x2048xf32, #tpu.memory_space<vmem>> -> memref<1x16x2048xf32, #tpu.memory_space<vmem>>
      %dma_start3A_512 = tpu.memref_squeeze %dma_start3A_511 : memref<1x16x2048xf32, #tpu.memory_space<vmem>> -> memref<16x2048xf32, #tpu.memory_space<vmem>>
      %dma_start3A_513 = arith.constant 0 : i32
      %dma_start3A_514 = tpu.memref_slice %arg6[%add3A_506, %dma_start3A_508, %dma_start3A_513] : memref<16384x1x2048xf32, #tpu.memory_space<hbm>> -> memref<16x1x2048xf32, #tpu.memory_space<hbm>>
      %dma_start3A_515 = tpu.memref_squeeze %dma_start3A_514 : memref<16x1x2048xf32, #tpu.memory_space<hbm>> -> memref<16x2048xf32, #tpu.memory_space<hbm>>
      %dma_start3A_516 = arith.constant 0 : i32
      %dma_start3A_517 = tpu.memref_slice %arg6[%add3A_506, %dma_start3A_508, %dma_start3A_516] : memref<16384x1x2048xf32, #tpu.memory_space<hbm>> -> memref<16x1x2048xf32, #tpu.memory_space<hbm>>
      %dma_start3A_518 = tpu.memref_squeeze %dma_start3A_517 : memref<16x1x2048xf32, #tpu.memory_space<hbm>> -> memref<16x2048xf32, #tpu.memory_space<hbm>>
      %dma_start3A_519 = arith.constant 0 : i32
      %dma_start3A_520 = arith.constant 0 : i32
      %dma_start3A_521 = tpu.memref_slice %arg11[%dma_start3A_507, %dma_start3A_519, %dma_start3A_520] : memref<3x16x2048xf32, #tpu.memory_space<vmem>> -> memref<1x16x2048xf32, #tpu.memory_space<vmem>>
      %dma_start3A_522 = tpu.memref_squeeze %dma_start3A_521 : memref<1x16x2048xf32, #tpu.memory_space<vmem>> -> memref<16x2048xf32, #tpu.memory_space<vmem>>
      tpu.enqueue_dma source(%dma_start3A_522 : memref<16x2048xf32, #tpu.memory_space<vmem>>) target(%dma_start3A_518 : memref<16x2048xf32, #tpu.memory_space<hbm>>) target_semaphore(%arg13 : memref<!tpu.dma_semaphore, #tpu.memory_space<semaphore_mem>>)
      %dma_wait3A_523 = arith.constant 0 : i32
      %dma_wait3A_524 = arith.constant 0 : i32
      %dma_wait3A_525 = arith.constant 0 : i32
      %dma_wait3A_526 = tpu.memref_slice %arg11[%dma_wait3A_523, %dma_wait3A_524, %dma_wait3A_525] : memref<3x16x2048xf32, #tpu.memory_space<vmem>> -> memref<1x16x2048xf32, #tpu.memory_space<vmem>>
      %dma_wait3A_527 = tpu.memref_squeeze %dma_wait3A_526 : memref<1x16x2048xf32, #tpu.memory_space<vmem>> -> memref<16x2048xf32, #tpu.memory_space<vmem>>
      %dma_wait3A_528 = arith.constant 0 : i32
      %dma_wait3A_529 = arith.constant 0 : i32
      %dma_wait3A_530 = tpu.memref_slice %arg2[%dma_wait3A_528, %dma_wait3A_529] : memref<768x2048xf32, #tpu.memory_space<hbm>> -> memref<16x2048xf32, #tpu.memory_space<hbm>>
      %dma_wait3A_531 = arith.constant 0 : i32
      %dma_wait3A_532 = arith.constant 0 : i32
      %dma_wait3A_533 = tpu.memref_slice %arg11[%dma_wait3A_523, %dma_wait3A_531, %dma_wait3A_532] : memref<3x16x2048xf32, #tpu.memory_space<vmem>> -> memref<1x16x2048xf32, #tpu.memory_space<vmem>>
      %dma_wait3A_534 = tpu.memref_squeeze %dma_wait3A_533 : memref<1x16x2048xf32, #tpu.memory_space<vmem>> -> memref<16x2048xf32, #tpu.memory_space<vmem>>
      %dma_wait3A_535 = arith.constant 0 : i32
      %dma_wait3A_536 = arith.constant 0 : i32
      %dma_wait3A_537 = tpu.memref_slice %arg2[%dma_wait3A_535, %dma_wait3A_536] : memref<768x2048xf32, #tpu.memory_space<hbm>> -> memref<16x2048xf32, #tpu.memory_space<hbm>>
      tpu.wait_dma2 semaphore(%arg13 : memref<!tpu.dma_semaphore, #tpu.memory_space<semaphore_mem>>) src(%dma_wait3A_537 : memref<16x2048xf32, #tpu.memory_space<hbm>>) dst(%dma_wait3A_534 : memref<16x2048xf32, #tpu.memory_space<vmem>>)
      %add3A_538 = arith.constant 3 : i32
      %add3A_539 = arith.addi %add3A_488, %add3A_538 : i32
      %sub3A_540 = arith.constant 1 : i32
      %sub3A_541 = arith.subi %add3A_539, %sub3A_540 : i32
      %add3A_542 = arith.constant 3 : i32
      %add3A_543 = arith.addi %add3A_488, %add3A_542 : i32
      %sub3A_544 = arith.constant 1 : i32
      %sub3A_545 = arith.subi %add3A_543, %sub3A_544 : i32
      %jit3A_546 = arith.constant 3 : i32
      %eq3A_547 = arith.constant 0 : i32
      %eq3A_548 = arith.cmpi eq, %jit3A_546, %eq3A_547 : i32
      %jit3A_549 = arith.constant 1 : i32
      %select_n3A_550 = arith.select %eq3A_548, %jit3A_549, %jit3A_546 : i32
      %rem3A_551 = arith.remsi %sub3A_545, %select_n3A_550 : i32
      %ne3A_552 = arith.constant 0 : i32
      %ne3A_553 = arith.cmpi ne, %rem3A_551, %ne3A_552 : i32
      %lt3A_554 = arith.constant 0 : i32
      %lt3A_555 = arith.cmpi slt, %rem3A_551, %lt3A_554 : i32
      %lt3A_556 = arith.constant 0 : i32
      %lt3A_557 = arith.cmpi slt, %select_n3A_550, %lt3A_556 : i32
      %ne3A_558 = arith.xori %lt3A_555, %lt3A_557 : i1
      %and3A_559 = arith.andi %ne3A_558, %ne3A_553 : i1
      %add3A_560 = arith.addi %rem3A_551, %select_n3A_550 : i32
      %select_n3A_561 = arith.select %and3A_559, %add3A_560, %rem3A_551 : i32
      %mul3A_562 = arith.constant 16 : i32
      %mul3A_563 = arith.muli %sub3A_541, %mul3A_562 : i32
      %get3A_564 = arith.index_cast %mul3A_563 : i32 to index
      %get3A_565 = tpu.vector_load %arg10[%get3A_564] {strides = array<i32>} : memref<512xi32, #tpu.memory_space<vmem>>, vector<16xi32>,
      %get3A_566 = vector.shape_cast %get3A_565 : vector<16xi32> to vector<16xi32>
      %dma_start3A_567 = arith.constant 0 : i32
      %dma_start3A_568 = arith.constant 0 : i32
      %dma_start3A_569 = tpu.memref_slice %arg11[%select_n3A_561, %dma_start3A_567, %dma_start3A_568] : memref<3x16x2048xf32, #tpu.memory_space<vmem>> -> memref<1x16x2048xf32, #tpu.memory_space<vmem>>
      %dma_start3A_570 = tpu.memref_squeeze %dma_start3A_569 : memref<1x16x2048xf32, #tpu.memory_space<vmem>> -> memref<16x2048xf32, #tpu.memory_space<vmem>>
      %dma_start3A_571 = arith.constant 0 : i32
      %dma_start3A_572 = arith.constant 0 : i32
      %dma_start3A_573 = tpu.memref_slice %arg2[%dma_start3A_571, %dma_start3A_572] : memref<768x2048xf32, #tpu.memory_space<hbm>> -> memref<768x2048xf32, #tpu.memory_space<hbm>>
      tpu.enqueue_indirect_dma source(%dma_start3A_573 : memref<768x2048xf32, #tpu.memory_space<hbm>>) target(%dma_start3A_570 : memref<16x2048xf32, #tpu.memory_space<vmem>>) offsets(%get3A_566 : vector<16xi32>) semaphore(%arg12 : memref<!tpu.dma_semaphore, #tpu.memory_space<semaphore_mem>>)
    }
    %scan3A_86 = arith.constant 9 : i32
    %dma_wait3A_87 = arith.constant 1 : i32
    %dma_wait3A_88 = arith.constant 0 : i32
    %dma_wait3A_89 = arith.constant 0 : i32
    %dma_wait3A_90 = tpu.memref_slice %arg11[%dma_wait3A_87, %dma_wait3A_88, %dma_wait3A_89] : memref<3x16x2048xf32, #tpu.memory_space<vmem>> -> memref<1x16x2048xf32, #tpu.memory_space<vmem>>
    %dma_wait3A_91 = tpu.memref_squeeze %dma_wait3A_90 : memref<1x16x2048xf32, #tpu.memory_space<vmem>> -> memref<16x2048xf32, #tpu.memory_space<vmem>>
    %dma_wait3A_92 = arith.constant 0 : i32
    %dma_wait3A_93 = arith.constant 0 : i32
    %dma_wait3A_94 = tpu.memref_slice %arg2[%dma_wait3A_92, %dma_wait3A_93] : memref<768x2048xf32, #tpu.memory_space<hbm>> -> memref<16x2048xf32, #tpu.memory_space<hbm>>
    %dma_wait3A_95 = arith.constant 0 : i32
    %dma_wait3A_96 = arith.constant 0 : i32
    %dma_wait3A_97 = tpu.memref_slice %arg11[%dma_wait3A_87, %dma_wait3A_95, %dma_wait3A_96] : memref<3x16x2048xf32, #tpu.memory_space<vmem>> -> memref<1x16x2048xf32, #tpu.memory_space<vmem>>
    %dma_wait3A_98 = tpu.memref_squeeze %dma_wait3A_97 : memref<1x16x2048xf32, #tpu.memory_space<vmem>> -> memref<16x2048xf32, #tpu.memory_space<vmem>>
    %dma_wait3A_99 = arith.constant 0 : i32
    %dma_wait3A_100 = arith.constant 0 : i32
    %dma_wait3A_101 = tpu.memref_slice %arg2[%dma_wait3A_99, %dma_wait3A_100] : memref<768x2048xf32, #tpu.memory_space<hbm>> -> memref<16x2048xf32, #tpu.memory_space<hbm>>
    tpu.wait_dma2 semaphore(%arg12 : memref<!tpu.dma_semaphore, #tpu.memory_space<semaphore_mem>>) src(%dma_wait3A_101 : memref<16x2048xf32, #tpu.memory_space<hbm>>) dst(%dma_wait3A_98 : memref<16x2048xf32, #tpu.memory_space<vmem>>)
    %add3A_102 = arith.constant 448 : i32
    %add3A_103 = arith.addi %mul3A_2, %add3A_102 : i32
    %dma_start3A_104 = arith.constant 1 : i32
    %dma_start3A_105 = arith.constant 0 : i32
    %dma_start3A_106 = arith.constant 0 : i32
    %dma_start3A_107 = arith.constant 0 : i32
    %dma_start3A_108 = tpu.memref_slice %arg11[%dma_start3A_104, %dma_start3A_106, %dma_start3A_107] : memref<3x16x2048xf32, #tpu.memory_space<vmem>> -> memref<1x16x2048xf32, #tpu.memory_space<vmem>>
    %dma_start3A_109 = tpu.memref_squeeze %dma_start3A_108 : memref<1x16x2048xf32, #tpu.memory_space<vmem>> -> memref<16x2048xf32, #tpu.memory_space<vmem>>
    %dma_start3A_110 = arith.constant 0 : i32
    %dma_start3A_111 = tpu.memref_slice %arg6[%add3A_103, %dma_start3A_105, %dma_start3A_110] : memref<16384x1x2048xf32, #tpu.memory_space<hbm>> -> memref<16x1x2048xf32, #tpu.memory_space<hbm>>
    %dma_start3A_112 = tpu.memref_squeeze %dma_start3A_111 : memref<16x1x2048xf32, #tpu.memory_space<hbm>> -> memref<16x2048xf32, #tpu.memory_space<hbm>>
    %dma_start3A_113 = arith.constant 0 : i32
    %dma_start3A_114 = tpu.memref_slice %arg6[%add3A_103, %dma_start3A_105, %dma_start3A_113] : memref<16384x1x2048xf32, #tpu.memory_space<hbm>> -> memref<16x1x2048xf32, #tpu.memory_space<hbm>>
    %dma_start3A_115 = tpu.memref_squeeze %dma_start3A_114 : memref<16x1x2048xf32, #tpu.memory_space<hbm>> -> memref<16x2048xf32, #tpu.memory_space<hbm>>
    %dma_start3A_116 = arith.constant 0 : i32
    %dma_start3A_117 = arith.constant 0 : i32
    %dma_start3A_118 = tpu.memref_slice %arg11[%dma_start3A_104, %dma_start3A_116, %dma_start3A_117] : memref<3x16x2048xf32, #tpu.memory_space<vmem>> -> memref<1x16x2048xf32, #tpu.memory_space<vmem>>
    %dma_start3A_119 = tpu.memref_squeeze %dma_start3A_118 : memref<1x16x2048xf32, #tpu.memory_space<vmem>> -> memref<16x2048xf32, #tpu.memory_space<vmem>>
    tpu.enqueue_dma source(%dma_start3A_119 : memref<16x2048xf32, #tpu.memory_space<vmem>>) target(%dma_start3A_115 : memref<16x2048xf32, #tpu.memory_space<hbm>>) target_semaphore(%arg13 : memref<!tpu.dma_semaphore, #tpu.memory_space<semaphore_mem>>)
    %dma_wait3A_120 = arith.constant 1 : i32
    %dma_wait3A_121 = arith.constant 0 : i32
    %dma_wait3A_122 = arith.constant 0 : i32
    %dma_wait3A_123 = tpu.memref_slice %arg11[%dma_wait3A_120, %dma_wait3A_121, %dma_wait3A_122] : memref<3x16x2048xf32, #tpu.memory_space<vmem>> -> memref<1x16x2048xf32, #tpu.memory_space<vmem>>
    %dma_wait3A_124 = tpu.memref_squeeze %dma_wait3A_123 : memref<1x16x2048xf32, #tpu.memory_space<vmem>> -> memref<16x2048xf32, #tpu.memory_space<vmem>>
    %dma_wait3A_125 = arith.constant 0 : i32
    %dma_wait3A_126 = arith.constant 0 : i32
    %dma_wait3A_127 = tpu.memref_slice %arg2[%dma_wait3A_125, %dma_wait3A_126] : memref<768x2048xf32, #tpu.memory_space<hbm>> -> memref<16x2048xf32, #tpu.memory_space<hbm>>
    %dma_wait3A_128 = arith.constant 0 : i32
    %dma_wait3A_129 = arith.constant 0 : i32
    %dma_wait3A_130 = tpu.memref_slice %arg11[%dma_wait3A_120, %dma_wait3A_128, %dma_wait3A_129] : memref<3x16x2048xf32, #tpu.memory_space<vmem>> -> memref<1x16x2048xf32, #tpu.memory_space<vmem>>
    %dma_wait3A_131 = tpu.memref_squeeze %dma_wait3A_130 : memref<1x16x2048xf32, #tpu.memory_space<vmem>> -> memref<16x2048xf32, #tpu.memory_space<vmem>>
    %dma_wait3A_132 = arith.constant 0 : i32
    %dma_wait3A_133 = arith.constant 0 : i32
    %dma_wait3A_134 = tpu.memref_slice %arg2[%dma_wait3A_132, %dma_wait3A_133] : memref<768x2048xf32, #tpu.memory_space<hbm>> -> memref<16x2048xf32, #tpu.memory_space<hbm>>
    tpu.wait_dma2 semaphore(%arg13 : memref<!tpu.dma_semaphore, #tpu.memory_space<semaphore_mem>>) src(%dma_wait3A_134 : memref<16x2048xf32, #tpu.memory_space<hbm>>) dst(%dma_wait3A_131 : memref<16x2048xf32, #tpu.memory_space<vmem>>)
    %get3A_135 = arith.constant 480 : index
    %get3A_136 = tpu.vector_load %arg10[%get3A_135] {strides = array<i32>} : memref<512xi32, #tpu.memory_space<vmem>>, vector<16xi32>,
    %get3A_137 = vector.shape_cast %get3A_136 : vector<16xi32> to vector<16xi32>
    %dma_start3A_138 = arith.constant 0 : i32
    %dma_start3A_139 = arith.constant 0 : i32
    %dma_start3A_140 = arith.constant 0 : i32
    %dma_start3A_141 = tpu.memref_slice %arg11[%dma_start3A_138, %dma_start3A_139, %dma_start3A_140] : memref<3x16x2048xf32, #tpu.memory_space<vmem>> -> memref<1x16x2048xf32, #tpu.memory_space<vmem>>
    %dma_start3A_142 = tpu.memref_squeeze %dma_start3A_141 : memref<1x16x2048xf32, #tpu.memory_space<vmem>> -> memref<16x2048xf32, #tpu.memory_space<vmem>>
    %dma_start3A_143 = arith.constant 0 : i32
    %dma_start3A_144 = arith.constant 0 : i32
    %dma_start3A_145 = tpu.memref_slice %arg2[%dma_start3A_143, %dma_start3A_144] : memref<768x2048xf32, #tpu.memory_space<hbm>> -> memref<768x2048xf32, #tpu.memory_space<hbm>>
    tpu.enqueue_indirect_dma source(%dma_start3A_145 : memref<768x2048xf32, #tpu.memory_space<hbm>>) target(%dma_start3A_142 : memref<16x2048xf32, #tpu.memory_space<vmem>>) offsets(%get3A_137 : vector<16xi32>) semaphore(%arg12 : memref<!tpu.dma_semaphore, #tpu.memory_space<semaphore_mem>>)
    %dma_wait3A_146 = arith.constant 2 : i32
    %dma_wait3A_147 = arith.constant 0 : i32
    %dma_wait3A_148 = arith.constant 0 : i32
    %dma_wait3A_149 = tpu.memref_slice %arg11[%dma_wait3A_146, %dma_wait3A_147, %dma_wait3A_148] : memref<3x16x2048xf32, #tpu.memory_space<vmem>> -> memref<1x16x2048xf32, #tpu.memory_space<vmem>>
    %dma_wait3A_150 = tpu.memref_squeeze %dma_wait3A_149 : memref<1x16x2048xf32, #tpu.memory_space<vmem>> -> memref<16x2048xf32, #tpu.memory_space<vmem>>
    %dma_wait3A_151 = arith.constant 0 : i32
    %dma_wait3A_152 = arith.constant 0 : i32
    %dma_wait3A_153 = tpu.memref_slice %arg2[%dma_wait3A_151, %dma_wait3A_152] : memref<768x2048xf32, #tpu.memory_space<hbm>> -> memref<16x2048xf32, #tpu.memory_space<hbm>>
    %dma_wait3A_154 = arith.constant 0 : i32
    %dma_wait3A_155 = arith.constant 0 : i32
    %dma_wait3A_156 = tpu.memref_slice %arg11[%dma_wait3A_146, %dma_wait3A_154, %dma_wait3A_155] : memref<3x16x2048xf32, #tpu.memory_space<vmem>> -> memref<1x16x2048xf32, #tpu.memory_space<vmem>>
    %dma_wait3A_157 = tpu.memref_squeeze %dma_wait3A_156 : memref<1x16x2048xf32, #tpu.memory_space<vmem>> -> memref<16x2048xf32, #tpu.memory_space<vmem>>
    %dma_wait3A_158 = arith.constant 0 : i32
    %dma_wait3A_159 = arith.constant 0 : i32
    %dma_wait3A_160 = tpu.memref_slice %arg2[%dma_wait3A_158, %dma_wait3A_159] : memref<768x2048xf32, #tpu.memory_space<hbm>> -> memref<16x2048xf32, #tpu.memory_space<hbm>>
    tpu.wait_dma2 semaphore(%arg12 : memref<!tpu.dma_semaphore, #tpu.memory_space<semaphore_mem>>) src(%dma_wait3A_160 : memref<16x2048xf32, #tpu.memory_space<hbm>>) dst(%dma_wait3A_157 : memref<16x2048xf32, #tpu.memory_space<vmem>>)
    %add3A_161 = arith.constant 464 : i32
    %add3A_162 = arith.addi %mul3A_2, %add3A_161 : i32
    %dma_start3A_163 = arith.constant 2 : i32
    %dma_start3A_164 = arith.constant 0 : i32
    %dma_start3A_165 = arith.constant 0 : i32
    %dma_start3A_166 = arith.constant 0 : i32
    %dma_start3A_167 = tpu.memref_slice %arg11[%dma_start3A_163, %dma_start3A_165, %dma_start3A_166] : memref<3x16x2048xf32, #tpu.memory_space<vmem>> -> memref<1x16x2048xf32, #tpu.memory_space<vmem>>
    %dma_start3A_168 = tpu.memref_squeeze %dma_start3A_167 : memref<1x16x2048xf32, #tpu.memory_space<vmem>> -> memref<16x2048xf32, #tpu.memory_space<vmem>>
    %dma_start3A_169 = arith.constant 0 : i32
    %dma_start3A_170 = tpu.memref_slice %arg6[%add3A_162, %dma_start3A_164, %dma_start3A_169] : memref<16384x1x2048xf32, #tpu.memory_space<hbm>> -> memref<16x1x2048xf32, #tpu.memory_space<hbm>>
    %dma_start3A_171 = tpu.memref_squeeze %dma_start3A_170 : memref<16x1x2048xf32, #tpu.memory_space<hbm>> -> memref<16x2048xf32, #tpu.memory_space<hbm>>
    %dma_start3A_172 = arith.constant 0 : i32
    %dma_start3A_173 = tpu.memref_slice %arg6[%add3A_162, %dma_start3A_164, %dma_start3A_172] : memref<16384x1x2048xf32, #tpu.memory_space<hbm>> -> memref<16x1x2048xf32, #tpu.memory_space<hbm>>
    %dma_start3A_174 = tpu.memref_squeeze %dma_start3A_173 : memref<16x1x2048xf32, #tpu.memory_space<hbm>> -> memref<16x2048xf32, #tpu.memory_space<hbm>>
    %dma_start3A_175 = arith.constant 0 : i32
    %dma_start3A_176 = arith.constant 0 : i32
    %dma_start3A_177 = tpu.memref_slice %arg11[%dma_start3A_163, %dma_start3A_175, %dma_start3A_176] : memref<3x16x2048xf32, #tpu.memory_space<vmem>> -> memref<1x16x2048xf32, #tpu.memory_space<vmem>>
    %dma_start3A_178 = tpu.memref_squeeze %dma_start3A_177 : memref<1x16x2048xf32, #tpu.memory_space<vmem>> -> memref<16x2048xf32, #tpu.memory_space<vmem>>
    tpu.enqueue_dma source(%dma_start3A_178 : memref<16x2048xf32, #tpu.memory_space<vmem>>) target(%dma_start3A_174 : memref<16x2048xf32, #tpu.memory_space<hbm>>) target_semaphore(%arg13 : memref<!tpu.dma_semaphore, #tpu.memory_space<semaphore_mem>>)
    %dma_wait3A_179 = arith.constant 2 : i32
    %dma_wait3A_180 = arith.constant 0 : i32
    %dma_wait3A_181 = arith.constant 0 : i32
    %dma_wait3A_182 = tpu.memref_slice %arg11[%dma_wait3A_179, %dma_wait3A_180, %dma_wait3A_181] : memref<3x16x2048xf32, #tpu.memory_space<vmem>> -> memref<1x16x2048xf32, #tpu.memory_space<vmem>>
    %dma_wait3A_183 = tpu.memref_squeeze %dma_wait3A_182 : memref<1x16x2048xf32, #tpu.memory_space<vmem>> -> memref<16x2048xf32, #tpu.memory_space<vmem>>
    %dma_wait3A_184 = arith.constant 0 : i32
    %dma_wait3A_185 = arith.constant 0 : i32
    %dma_wait3A_186 = tpu.memref_slice %arg2[%dma_wait3A_184, %dma_wait3A_185] : memref<768x2048xf32, #tpu.memory_space<hbm>> -> memref<16x2048xf32, #tpu.memory_space<hbm>>
    %dma_wait3A_187 = arith.constant 0 : i32
    %dma_wait3A_188 = arith.constant 0 : i32
    %dma_wait3A_189 = tpu.memref_slice %arg11[%dma_wait3A_179, %dma_wait3A_187, %dma_wait3A_188] : memref<3x16x2048xf32, #tpu.memory_space<vmem>> -> memref<1x16x2048xf32, #tpu.memory_space<vmem>>
    %dma_wait3A_190 = tpu.memref_squeeze %dma_wait3A_189 : memref<1x16x2048xf32, #tpu.memory_space<vmem>> -> memref<16x2048xf32, #tpu.memory_space<vmem>>
    %dma_wait3A_191 = arith.constant 0 : i32
    %dma_wait3A_192 = arith.constant 0 : i32
    %dma_wait3A_193 = tpu.memref_slice %arg2[%dma_wait3A_191, %dma_wait3A_192] : memref<768x2048xf32, #tpu.memory_space<hbm>> -> memref<16x2048xf32, #tpu.memory_space<hbm>>
    tpu.wait_dma2 semaphore(%arg13 : memref<!tpu.dma_semaphore, #tpu.memory_space<semaphore_mem>>) src(%dma_wait3A_193 : memref<16x2048xf32, #tpu.memory_space<hbm>>) dst(%dma_wait3A_190 : memref<16x2048xf32, #tpu.memory_space<vmem>>)
    %get3A_194 = arith.constant 496 : index
    %get3A_195 = tpu.vector_load %arg10[%get3A_194] {strides = array<i32>} : memref<512xi32, #tpu.memory_space<vmem>>, vector<16xi32>,
    %get3A_196 = vector.shape_cast %get3A_195 : vector<16xi32> to vector<16xi32>
    %dma_start3A_197 = arith.constant 1 : i32
    %dma_start3A_198 = arith.constant 0 : i32
    %dma_start3A_199 = arith.constant 0 : i32
    %dma_start3A_200 = tpu.memref_slice %arg11[%dma_start3A_197, %dma_start3A_198, %dma_start3A_199] : memref<3x16x2048xf32, #tpu.memory_space<vmem>> -> memref<1x16x2048xf32, #tpu.memory_space<vmem>>
    %dma_start3A_201 = tpu.memref_squeeze %dma_start3A_200 : memref<1x16x2048xf32, #tpu.memory_space<vmem>> -> memref<16x2048xf32, #tpu.memory_space<vmem>>
    %dma_start3A_202 = arith.constant 0 : i32
    %dma_start3A_203 = arith.constant 0 : i32
    %dma_start3A_204 = tpu.memref_slice %arg2[%dma_start3A_202, %dma_start3A_203] : memref<768x2048xf32, #tpu.memory_space<hbm>> -> memref<768x2048xf32, #tpu.memory_space<hbm>>
    tpu.enqueue_indirect_dma source(%dma_start3A_204 : memref<768x2048xf32, #tpu.memory_space<hbm>>) target(%dma_start3A_201 : memref<16x2048xf32, #tpu.memory_space<vmem>>) offsets(%get3A_196 : vector<16xi32>) semaphore(%arg12 : memref<!tpu.dma_semaphore, #tpu.memory_space<semaphore_mem>>)
    %dma_wait3A_205 = arith.constant 0 : i32
    %dma_wait3A_206 = arith.constant 0 : i32
    %dma_wait3A_207 = arith.constant 0 : i32
    %dma_wait3A_208 = tpu.memref_slice %arg11[%dma_wait3A_205, %dma_wait3A_206, %dma_wait3A_207] : memref<3x16x2048xf32, #tpu.memory_space<vmem>> -> memref<1x16x2048xf32, #tpu.memory_space<vmem>>
    %dma_wait3A_209 = tpu.memref_squeeze %dma_wait3A_208 : memref<1x16x2048xf32, #tpu.memory_space<vmem>> -> memref<16x2048xf32, #tpu.memory_space<vmem>>
    %dma_wait3A_210 = arith.constant 0 : i32
    %dma_wait3A_211 = arith.constant 0 : i32
    %dma_wait3A_212 = tpu.memref_slice %arg2[%dma_wait3A_210, %dma_wait3A_211] : memref<768x2048xf32, #tpu.memory_space<hbm>> -> memref<16x2048xf32, #tpu.memory_space<hbm>>
    %dma_wait3A_213 = arith.constant 0 : i32
    %dma_wait3A_214 = arith.constant 0 : i32
    %dma_wait3A_215 = tpu.memref_slice %arg11[%dma_wait3A_205, %dma_wait3A_213, %dma_wait3A_214] : memref<3x16x2048xf32, #tpu.memory_space<vmem>> -> memref<1x16x2048xf32, #tpu.memory_space<vmem>>
    %dma_wait3A_216 = tpu.memref_squeeze %dma_wait3A_215 : memref<1x16x2048xf32, #tpu.memory_space<vmem>> -> memref<16x2048xf32, #tpu.memory_space<vmem>>
    %dma_wait3A_217 = arith.constant 0 : i32
    %dma_wait3A_218 = arith.constant 0 : i32
    %dma_wait3A_219 = tpu.memref_slice %arg2[%dma_wait3A_217, %dma_wait3A_218] : memref<768x2048xf32, #tpu.memory_space<hbm>> -> memref<16x2048xf32, #tpu.memory_space<hbm>>
    tpu.wait_dma2 semaphore(%arg12 : memref<!tpu.dma_semaphore, #tpu.memory_space<semaphore_mem>>) src(%dma_wait3A_219 : memref<16x2048xf32, #tpu.memory_space<hbm>>) dst(%dma_wait3A_216 : memref<16x2048xf32, #tpu.memory_space<vmem>>)
    %add3A_220 = arith.constant 480 : i32
    %add3A_221 = arith.addi %mul3A_2, %add3A_220 : i32
    %dma_start3A_222 = arith.constant 0 : i32
    %dma_start3A_223 = arith.constant 0 : i32
    %dma_start3A_224 = arith.constant 0 : i32
    %dma_start3A_225 = arith.constant 0 : i32
    %dma_start3A_226 = tpu.memref_slice %arg11[%dma_start3A_222, %dma_start3A_224, %dma_start3A_225] : memref<3x16x2048xf32, #tpu.memory_space<vmem>> -> memref<1x16x2048xf32, #tpu.memory_space<vmem>>
    %dma_start3A_227 = tpu.memref_squeeze %dma_start3A_226 : memref<1x16x2048xf32, #tpu.memory_space<vmem>> -> memref<16x2048xf32, #tpu.memory_space<vmem>>
    %dma_start3A_228 = arith.constant 0 : i32
    %dma_start3A_229 = tpu.memref_slice %arg6[%add3A_221, %dma_start3A_223, %dma_start3A_228] : memref<16384x1x2048xf32, #tpu.memory_space<hbm>> -> memref<16x1x2048xf32, #tpu.memory_space<hbm>>
    %dma_start3A_230 = tpu.memref_squeeze %dma_start3A_229 : memref<16x1x2048xf32, #tpu.memory_space<hbm>> -> memref<16x2048xf32, #tpu.memory_space<hbm>>
    %dma_start3A_231 = arith.constant 0 : i32
    %dma_start3A_232 = tpu.memref_slice %arg6[%add3A_221, %dma_start3A_223, %dma_start3A_231] : memref<16384x1x2048xf32, #tpu.memory_space<hbm>> -> memref<16x1x2048xf32, #tpu.memory_space<hbm>>
    %dma_start3A_233 = tpu.memref_squeeze %dma_start3A_232 : memref<16x1x2048xf32, #tpu.memory_space<hbm>> -> memref<16x2048xf32, #tpu.memory_space<hbm>>
    %dma_start3A_234 = arith.constant 0 : i32
    %dma_start3A_235 = arith.constant 0 : i32
    %dma_start3A_236 = tpu.memref_slice %arg11[%dma_start3A_222, %dma_start3A_234, %dma_start3A_235] : memref<3x16x2048xf32, #tpu.memory_space<vmem>> -> memref<1x16x2048xf32, #tpu.memory_space<vmem>>
    %dma_start3A_237 = tpu.memref_squeeze %dma_start3A_236 : memref<1x16x2048xf32, #tpu.memory_space<vmem>> -> memref<16x2048xf32, #tpu.memory_space<vmem>>
    tpu.enqueue_dma source(%dma_start3A_237 : memref<16x2048xf32, #tpu.memory_space<vmem>>) target(%dma_start3A_233 : memref<16x2048xf32, #tpu.memory_space<hbm>>) target_semaphore(%arg13 : memref<!tpu.dma_semaphore, #tpu.memory_space<semaphore_mem>>)
    %dma_wait3A_238 = arith.constant 0 : i32
    %dma_wait3A_239 = arith.constant 0 : i32
    %dma_wait3A_240 = arith.constant 0 : i32
    %dma_wait3A_241 = tpu.memref_slice %arg11[%dma_wait3A_238, %dma_wait3A_239, %dma_wait3A_240] : memref<3x16x2048xf32, #tpu.memory_space<vmem>> -> memref<1x16x2048xf32, #tpu.memory_space<vmem>>
    %dma_wait3A_242 = tpu.memref_squeeze %dma_wait3A_241 : memref<1x16x2048xf32, #tpu.memory_space<vmem>> -> memref<16x2048xf32, #tpu.memory_space<vmem>>
    %dma_wait3A_243 = arith.constant 0 : i32
    %dma_wait3A_244 = arith.constant 0 : i32
    %dma_wait3A_245 = tpu.memref_slice %arg2[%dma_wait3A_243, %dma_wait3A_244] : memref<768x2048xf32, #tpu.memory_space<hbm>> -> memref<16x2048xf32, #tpu.memory_space<hbm>>
    %dma_wait3A_246 = arith.constant 0 : i32
    %dma_wait3A_247 = arith.constant 0 : i32
    %dma_wait3A_248 = tpu.memref_slice %arg11[%dma_wait3A_238, %dma_wait3A_246, %dma_wait3A_247] : memref<3x16x2048xf32, #tpu.memory_space<vmem>> -> memref<1x16x2048xf32, #tpu.memory_space<vmem>>
    %dma_wait3A_249 = tpu.memref_squeeze %dma_wait3A_248 : memref<1x16x2048xf32, #tpu.memory_space<vmem>> -> memref<16x2048xf32, #tpu.memory_space<vmem>>
    %dma_wait3A_250 = arith.constant 0 : i32
    %dma_wait3A_251 = arith.constant 0 : i32
    %dma_wait3A_252 = tpu.memref_slice %arg2[%dma_wait3A_250, %dma_wait3A_251] : memref<768x2048xf32, #tpu.memory_space<hbm>> -> memref<16x2048xf32, #tpu.memory_space<hbm>>
    tpu.wait_dma2 semaphore(%arg13 : memref<!tpu.dma_semaphore, #tpu.memory_space<semaphore_mem>>) src(%dma_wait3A_252 : memref<16x2048xf32, #tpu.memory_space<hbm>>) dst(%dma_wait3A_249 : memref<16x2048xf32, #tpu.memory_space<vmem>>)
    %dma_wait3A_253 = arith.constant 1 : i32
    %dma_wait3A_254 = arith.constant 0 : i32
    %dma_wait3A_255 = arith.constant 0 : i32
    %dma_wait3A_256 = tpu.memref_slice %arg11[%dma_wait3A_253, %dma_wait3A_254, %dma_wait3A_255] : memref<3x16x2048xf32, #tpu.memory_space<vmem>> -> memref<1x16x2048xf32, #tpu.memory_space<vmem>>
    %dma_wait3A_257 = tpu.memref_squeeze %dma_wait3A_256 : memref<1x16x2048xf32, #tpu.memory_space<vmem>> -> memref<16x2048xf32, #tpu.memory_space<vmem>>
    %dma_wait3A_258 = arith.constant 0 : i32
    %dma_wait3A_259 = arith.constant 0 : i32
    %dma_wait3A_260 = tpu.memref_slice %arg2[%dma_wait3A_258, %dma_wait3A_259] : memref<768x2048xf32, #tpu.memory_space<hbm>> -> memref<16x2048xf32, #tpu.memory_space<hbm>>
    %dma_wait3A_261 = arith.constant 0 : i32
    %dma_wait3A_262 = arith.constant 0 : i32
    %dma_wait3A_263 = tpu.memref_slice %arg11[%dma_wait3A_253, %dma_wait3A_261, %dma_wait3A_262] : memref<3x16x2048xf32, #tpu.memory_space<vmem>> -> memref<1x16x2048xf32, #tpu.memory_space<vmem>>
    %dma_wait3A_264 = tpu.memref_squeeze %dma_wait3A_263 : memref<1x16x2048xf32, #tpu.memory_space<vmem>> -> memref<16x2048xf32, #tpu.memory_space<vmem>>
    %dma_wait3A_265 = arith.constant 0 : i32
    %dma_wait3A_266 = arith.constant 0 : i32
    %dma_wait3A_267 = tpu.memref_slice %arg2[%dma_wait3A_265, %dma_wait3A_266] : memref<768x2048xf32, #tpu.memory_space<hbm>> -> memref<16x2048xf32, #tpu.memory_space<hbm>>
    tpu.wait_dma2 semaphore(%arg12 : memref<!tpu.dma_semaphore, #tpu.memory_space<semaphore_mem>>) src(%dma_wait3A_267 : memref<16x2048xf32, #tpu.memory_space<hbm>>) dst(%dma_wait3A_264 : memref<16x2048xf32, #tpu.memory_space<vmem>>)
    %add3A_268 = arith.constant 496 : i32
    %add3A_269 = arith.addi %mul3A_2, %add3A_268 : i32
    %dma_start3A_270 = arith.constant 1 : i32
    %dma_start3A_271 = arith.constant 0 : i32
    %dma_start3A_272 = arith.constant 0 : i32
    %dma_start3A_273 = arith.constant 0 : i32
    %dma_start3A_274 = tpu.memref_slice %arg11[%dma_start3A_270, %dma_start3A_272, %dma_start3A_273] : memref<3x16x2048xf32, #tpu.memory_space<vmem>> -> memref<1x16x2048xf32, #tpu.memory_space<vmem>>
    %dma_start3A_275 = tpu.memref_squeeze %dma_start3A_274 : memref<1x16x2048xf32, #tpu.memory_space<vmem>> -> memref<16x2048xf32, #tpu.memory_space<vmem>>
    %dma_start3A_276 = arith.constant 0 : i32
    %dma_start3A_277 = tpu.memref_slice %arg6[%add3A_269, %dma_start3A_271, %dma_start3A_276] : memref<16384x1x2048xf32, #tpu.memory_space<hbm>> -> memref<16x1x2048xf32, #tpu.memory_space<hbm>>
    %dma_start3A_278 = tpu.memref_squeeze %dma_start3A_277 : memref<16x1x2048xf32, #tpu.memory_space<hbm>> -> memref<16x2048xf32, #tpu.memory_space<hbm>>
    %dma_start3A_279 = arith.constant 0 : i32
    %dma_start3A_280 = tpu.memref_slice %arg6[%add3A_269, %dma_start3A_271, %dma_start3A_279] : memref<16384x1x2048xf32, #tpu.memory_space<hbm>> -> memref<16x1x2048xf32, #tpu.memory_space<hbm>>
    %dma_start3A_281 = tpu.memref_squeeze %dma_start3A_280 : memref<16x1x2048xf32, #tpu.memory_space<hbm>> -> memref<16x2048xf32, #tpu.memory_space<hbm>>
    %dma_start3A_282 = arith.constant 0 : i32
    %dma_start3A_283 = arith.constant 0 : i32
    %dma_start3A_284 = tpu.memref_slice %arg11[%dma_start3A_270, %dma_start3A_282, %dma_start3A_283] : memref<3x16x2048xf32, #tpu.memory_space<vmem>> -> memref<1x16x2048xf32, #tpu.memory_space<vmem>>
    %dma_start3A_285 = tpu.memref_squeeze %dma_start3A_284 : memref<1x16x2048xf32, #tpu.memory_space<vmem>> -> memref<16x2048xf32, #tpu.memory_space<vmem>>
    tpu.enqueue_dma source(%dma_start3A_285 : memref<16x2048xf32, #tpu.memory_space<vmem>>) target(%dma_start3A_281 : memref<16x2048xf32, #tpu.memory_space<hbm>>) target_semaphore(%arg13 : memref<!tpu.dma_semaphore, #tpu.memory_space<semaphore_mem>>)
    %dma_wait3A_286 = arith.constant 1 : i32
    %dma_wait3A_287 = arith.constant 0 : i32
    %dma_wait3A_288 = arith.constant 0 : i32
    %dma_wait3A_289 = tpu.memref_slice %arg11[%dma_wait3A_286, %dma_wait3A_287, %dma_wait3A_288] : memref<3x16x2048xf32, #tpu.memory_space<vmem>> -> memref<1x16x2048xf32, #tpu.memory_space<vmem>>
    %dma_wait3A_290 = tpu.memref_squeeze %dma_wait3A_289 : memref<1x16x2048xf32, #tpu.memory_space<vmem>> -> memref<16x2048xf32, #tpu.memory_space<vmem>>
    %dma_wait3A_291 = arith.constant 0 : i32
    %dma_wait3A_292 = arith.constant 0 : i32
    %dma_wait3A_293 = tpu.memref_slice %arg2[%dma_wait3A_291, %dma_wait3A_292] : memref<768x2048xf32, #tpu.memory_space<hbm>> -> memref<16x2048xf32, #tpu.memory_space<hbm>>
    %dma_wait3A_294 = arith.constant 0 : i32
    %dma_wait3A_295 = arith.constant 0 : i32
    %dma_wait3A_296 = tpu.memref_slice %arg11[%dma_wait3A_286, %dma_wait3A_294, %dma_wait3A_295] : memref<3x16x2048xf32, #tpu.memory_space<vmem>> -> memref<1x16x2048xf32, #tpu.memory_space<vmem>>
    %dma_wait3A_297 = tpu.memref_squeeze %dma_wait3A_296 : memref<1x16x2048xf32, #tpu.memory_space<vmem>> -> memref<16x2048xf32, #tpu.memory_space<vmem>>
    %dma_wait3A_298 = arith.constant 0 : i32
    %dma_wait3A_299 = arith.constant 0 : i32
    %dma_wait3A_300 = tpu.memref_slice %arg2[%dma_wait3A_298, %dma_wait3A_299] : memref<768x2048xf32, #tpu.memory_space<hbm>> -> memref<16x2048xf32, #tpu.memory_space<hbm>>
    tpu.wait_dma2 semaphore(%arg13 : memref<!tpu.dma_semaphore, #tpu.memory_space<semaphore_mem>>) src(%dma_wait3A_300 : memref<16x2048xf32, #tpu.memory_space<hbm>>) dst(%dma_wait3A_297 : memref<16x2048xf32, #tpu.memory_space<vmem>>)
    %dma_wait3A_301 = arith.constant 0 : i32
    %dma_wait3A_302 = arith.constant 0 : i32
    %dma_wait3A_303 = arith.constant 0 : i32
    %dma_wait3A_304 = tpu.memref_slice %arg11[%dma_wait3A_301, %dma_wait3A_302, %dma_wait3A_303] : memref<3x16x2048xf32, #tpu.memory_space<vmem>> -> memref<1x16x2048xf32, #tpu.memory_space<vmem>>
    %dma_wait3A_305 = tpu.memref_squeeze %dma_wait3A_304 : memref<1x16x2048xf32, #tpu.memory_space<vmem>> -> memref<16x2048xf32, #tpu.memory_space<vmem>>
    %dma_wait3A_306 = arith.constant 0 : i32
    %dma_wait3A_307 = arith.constant 0 : i32
    %dma_wait3A_308 = tpu.memref_slice %arg2[%dma_wait3A_306, %dma_wait3A_307] : memref<768x2048xf32, #tpu.memory_space<hbm>> -> memref<16x2048xf32, #tpu.memory_space<hbm>>
    %dma_wait3A_309 = arith.constant 0 : i32
    %dma_wait3A_310 = arith.constant 0 : i32
    %dma_wait3A_311 = tpu.memref_slice %arg11[%dma_wait3A_301, %dma_wait3A_309, %dma_wait3A_310] : memref<3x16x2048xf32, #tpu.memory_space<vmem>> -> memref<1x16x2048xf32, #tpu.memory_space<vmem>>
    %dma_wait3A_312 = tpu.memref_squeeze %dma_wait3A_311 : memref<1x16x2048xf32, #tpu.memory_space<vmem>> -> memref<16x2048xf32, #tpu.memory_space<vmem>>
    %dma_wait3A_313 = arith.constant 0 : i32
    %dma_wait3A_314 = arith.constant 0 : i32
    %dma_wait3A_315 = tpu.memref_slice %arg2[%dma_wait3A_313, %dma_wait3A_314] : memref<768x2048xf32, #tpu.memory_space<hbm>> -> memref<16x2048xf32, #tpu.memory_space<hbm>>
    tpu.wait_dma2 semaphore(%arg13 : memref<!tpu.dma_semaphore, #tpu.memory_space<semaphore_mem>>) src(%dma_wait3A_315 : memref<16x2048xf32, #tpu.memory_space<hbm>>) dst(%dma_wait3A_312 : memref<16x2048xf32, #tpu.memory_space<vmem>>)
    return
  }
}

module attributes {stable_mosaic.version = 14 : i64} {
  func.func @_table_body(%arg0: memref<3x2048xf32, #tpu.memory_space<vmem>>, %arg1: memref<4x2048xf32, #tpu.memory_space<vmem>>, %arg2: memref<4x2048xf32, #tpu.memory_space<vmem>>, %arg3: memref<1x2048xf32, #tpu.memory_space<vmem>>, %arg4: memref<1x2048xf32, #tpu.memory_space<vmem>>, %arg5: memref<768x2048xf32, #tpu.memory_space<vmem>>) attributes {dimension_semantics = [], scalar_prefetch = 0 : i64, scratch_operands = 0 : i64, tpu.core_type = #tpu.core_type<tc>} {
    %iota3A = tpu.iota {dimensions = array<i32: 0>} : vector<48x3xi32>
    %iota3A_0 = tpu.iota {dimensions = array<i32: 1>} : vector<48x3xi32>
    %jit3A = arith.constant 16 : i32
    %div3A = vector.broadcast %jit3A : i32 to vector<48x3xi32>
    %div3A_1 = arith.divsi %iota3A, %div3A : vector<48x3xi32>
    %sign3A = arith.constant 0 : i32
    %sign3A_2 = vector.broadcast %sign3A : i32 to vector<48x3xi32>
    %sign3A_3 = arith.cmpi sgt, %iota3A, %sign3A_2 : vector<48x3xi32>
    %sign3A_4 = arith.extui %sign3A_3 : vector<48x3xi1> to vector<48x3xi32>
    %sign3A_5 = arith.constant 0 : i32
    %sign3A_6 = vector.broadcast %sign3A_5 : i32 to vector<48x3xi32>
    %sign3A_7 = arith.cmpi slt, %iota3A, %sign3A_6 : vector<48x3xi32>
    %sign3A_8 = arith.extui %sign3A_7 : vector<48x3xi1> to vector<48x3xi32>
    %sign3A_9 = arith.subi %sign3A_4, %sign3A_8 : vector<48x3xi32>
    %sign3A_10 = arith.constant 0 : i32
    %sign3A_11 = arith.cmpi sgt, %jit3A, %sign3A_10 : i32
    %sign3A_12 = arith.extui %sign3A_11 : i1 to i32
    %sign3A_13 = arith.constant 0 : i32
    %sign3A_14 = arith.cmpi slt, %jit3A, %sign3A_13 : i32
    %sign3A_15 = arith.extui %sign3A_14 : i1 to i32
    %sign3A_16 = arith.subi %sign3A_12, %sign3A_15 : i32
    %ne3A = vector.broadcast %sign3A_16 : i32 to vector<48x3xi32>
    %ne3A_17 = arith.cmpi ne, %sign3A_9, %ne3A : vector<48x3xi32>
    %rem3A = vector.broadcast %jit3A : i32 to vector<48x3xi32>
    %rem3A_18 = arith.remsi %iota3A, %rem3A : vector<48x3xi32>
    %ne3A_19 = arith.constant 0 : i32
    %ne3A_20 = vector.broadcast %ne3A_19 : i32 to vector<48x3xi32>
    %ne3A_21 = arith.cmpi ne, %rem3A_18, %ne3A_20 : vector<48x3xi32>
    %and3A = arith.andi %ne3A_17, %ne3A_21 : vector<48x3xi1>
    %sub3A = arith.constant 1 : i32
    %sub3A_22 = vector.broadcast %sub3A : i32 to vector<48x3xi32>
    %sub3A_23 = arith.subi %div3A_1, %sub3A_22 : vector<48x3xi32>
    %select_n3A = arith.select %and3A, %sub3A_23, %div3A_1 : vector<48x3xi1>, vector<48x3xi32>
    %eq3A = arith.cmpi eq, %select_n3A, %iota3A_0 : vector<48x3xi32>
    %convert_element_type3A = arith.extui %eq3A : vector<48x3xi1> to vector<48x3xi32>
    %convert_element_type3A_24 = arith.sitofp %convert_element_type3A : vector<48x3xi32> to vector<48x3xf32>
    %iota3A_25 = tpu.iota {dimensions = array<i32: 0>} : vector<48x4xi32>
    %iota3A_26 = tpu.iota {dimensions = array<i32: 1>} : vector<48x4xi32>
    %jit3A_27 = arith.constant 4 : i32
    %div3A_28 = vector.broadcast %jit3A_27 : i32 to vector<48x4xi32>
    %div3A_29 = arith.divsi %iota3A_25, %div3A_28 : vector<48x4xi32>
    %sign3A_30 = arith.constant 0 : i32
    %sign3A_31 = vector.broadcast %sign3A_30 : i32 to vector<48x4xi32>
    %sign3A_32 = arith.cmpi sgt, %iota3A_25, %sign3A_31 : vector<48x4xi32>
    %sign3A_33 = arith.extui %sign3A_32 : vector<48x4xi1> to vector<48x4xi32>
    %sign3A_34 = arith.constant 0 : i32
    %sign3A_35 = vector.broadcast %sign3A_34 : i32 to vector<48x4xi32>
    %sign3A_36 = arith.cmpi slt, %iota3A_25, %sign3A_35 : vector<48x4xi32>
    %sign3A_37 = arith.extui %sign3A_36 : vector<48x4xi1> to vector<48x4xi32>
    %sign3A_38 = arith.subi %sign3A_33, %sign3A_37 : vector<48x4xi32>
    %sign3A_39 = arith.constant 0 : i32
    %sign3A_40 = arith.cmpi sgt, %jit3A_27, %sign3A_39 : i32
    %sign3A_41 = arith.extui %sign3A_40 : i1 to i32
    %sign3A_42 = arith.constant 0 : i32
    %sign3A_43 = arith.cmpi slt, %jit3A_27, %sign3A_42 : i32
    %sign3A_44 = arith.extui %sign3A_43 : i1 to i32
    %sign3A_45 = arith.subi %sign3A_41, %sign3A_44 : i32
    %ne3A_46 = vector.broadcast %sign3A_45 : i32 to vector<48x4xi32>
    %ne3A_47 = arith.cmpi ne, %sign3A_38, %ne3A_46 : vector<48x4xi32>
    %rem3A_48 = vector.broadcast %jit3A_27 : i32 to vector<48x4xi32>
    %rem3A_49 = arith.remsi %iota3A_25, %rem3A_48 : vector<48x4xi32>
    %ne3A_50 = arith.constant 0 : i32
    %ne3A_51 = vector.broadcast %ne3A_50 : i32 to vector<48x4xi32>
    %ne3A_52 = arith.cmpi ne, %rem3A_49, %ne3A_51 : vector<48x4xi32>
    %and3A_53 = arith.andi %ne3A_47, %ne3A_52 : vector<48x4xi1>
    %sub3A_54 = arith.constant 1 : i32
    %sub3A_55 = vector.broadcast %sub3A_54 : i32 to vector<48x4xi32>
    %sub3A_56 = arith.subi %div3A_29, %sub3A_55 : vector<48x4xi32>
    %select_n3A_57 = arith.select %and3A_53, %sub3A_56, %div3A_29 : vector<48x4xi1>, vector<48x4xi32>
    %jit3A_58 = arith.constant 4 : i32
    %eq3A_59 = arith.constant 0 : i32
    %eq3A_60 = arith.cmpi eq, %jit3A_58, %eq3A_59 : i32
    %jit3A_61 = arith.constant 1 : i32
    %select_n3A_62 = arith.select %eq3A_60, %jit3A_61, %jit3A_58 : i32
    %rem3A_63 = vector.broadcast %select_n3A_62 : i32 to vector<48x4xi32>
    %rem3A_64 = arith.remsi %select_n3A_57, %rem3A_63 : vector<48x4xi32>
    %ne3A_65 = arith.constant 0 : i32
    %ne3A_66 = vector.broadcast %ne3A_65 : i32 to vector<48x4xi32>
    %ne3A_67 = arith.cmpi ne, %rem3A_64, %ne3A_66 : vector<48x4xi32>
    %lt3A = arith.constant 0 : i32
    %lt3A_68 = vector.broadcast %lt3A : i32 to vector<48x4xi32>
    %lt3A_69 = arith.cmpi slt, %rem3A_64, %lt3A_68 : vector<48x4xi32>
    %lt3A_70 = arith.constant 0 : i32
    %lt3A_71 = arith.cmpi slt, %select_n3A_62, %lt3A_70 : i32
    %ne3A_72 = vector.broadcast %lt3A_71 : i1 to vector<48x4xi1>
    %ne3A_73 = vector.broadcast %ne3A_72 : vector<48x4xi1> to vector<48x4xi1>
    %ne3A_74 = arith.xori %lt3A_69, %ne3A_73 : vector<48x4xi1>
    %and3A_75 = arith.andi %ne3A_74, %ne3A_67 : vector<48x4xi1>
    %add3A = vector.broadcast %select_n3A_62 : i32 to vector<48x4xi32>
    %add3A_76 = arith.addi %rem3A_64, %add3A : vector<48x4xi32>
    %select_n3A_77 = arith.select %and3A_75, %add3A_76, %rem3A_64 : vector<48x4xi1>, vector<48x4xi32>
    %eq3A_78 = arith.cmpi eq, %select_n3A_77, %iota3A_26 : vector<48x4xi32>
    %convert_element_type3A_79 = arith.extui %eq3A_78 : vector<48x4xi1> to vector<48x4xi32>
    %convert_element_type3A_80 = arith.sitofp %convert_element_type3A_79 : vector<48x4xi32> to vector<48x4xf32>
    %iota3A_81 = tpu.iota {dimensions = array<i32: 0>} : vector<48x4xi32>
    %iota3A_82 = tpu.iota {dimensions = array<i32: 1>} : vector<48x4xi32>
    %jit3A_83 = arith.constant 4 : i32
    %eq3A_84 = arith.constant 0 : i32
    %eq3A_85 = arith.cmpi eq, %jit3A_83, %eq3A_84 : i32
    %jit3A_86 = arith.constant 1 : i32
    %select_n3A_87 = arith.select %eq3A_85, %jit3A_86, %jit3A_83 : i32
    %rem3A_88 = vector.broadcast %select_n3A_87 : i32 to vector<48x4xi32>
    %rem3A_89 = arith.remsi %iota3A_81, %rem3A_88 : vector<48x4xi32>
    %ne3A_90 = arith.constant 0 : i32
    %ne3A_91 = vector.broadcast %ne3A_90 : i32 to vector<48x4xi32>
    %ne3A_92 = arith.cmpi ne, %rem3A_89, %ne3A_91 : vector<48x4xi32>
    %lt3A_93 = arith.constant 0 : i32
    %lt3A_94 = vector.broadcast %lt3A_93 : i32 to vector<48x4xi32>
    %lt3A_95 = arith.cmpi slt, %rem3A_89, %lt3A_94 : vector<48x4xi32>
    %lt3A_96 = arith.constant 0 : i32
    %lt3A_97 = arith.cmpi slt, %select_n3A_87, %lt3A_96 : i32
    %ne3A_98 = vector.broadcast %lt3A_97 : i1 to vector<48x4xi1>
    %ne3A_99 = vector.broadcast %ne3A_98 : vector<48x4xi1> to vector<48x4xi1>
    %ne3A_100 = arith.xori %lt3A_95, %ne3A_99 : vector<48x4xi1>
    %and3A_101 = arith.andi %ne3A_100, %ne3A_92 : vector<48x4xi1>
    %add3A_102 = vector.broadcast %select_n3A_87 : i32 to vector<48x4xi32>
    %add3A_103 = arith.addi %rem3A_89, %add3A_102 : vector<48x4xi32>
    %select_n3A_104 = arith.select %and3A_101, %add3A_103, %rem3A_89 : vector<48x4xi1>, vector<48x4xi32>
    %eq3A_105 = arith.cmpi eq, %select_n3A_104, %iota3A_82 : vector<48x4xi32>
    %convert_element_type3A_106 = arith.extui %eq3A_105 : vector<48x4xi1> to vector<48x4xi32>
    %convert_element_type3A_107 = arith.sitofp %convert_element_type3A_106 : vector<48x4xi32> to vector<48x4xf32>
    %get3A = arith.constant 0 : index
    %get3A_108 = arith.constant 0 : index
    %get3A_109 = vector.load %arg0[%get3A, %get3A_108] : memref<3x2048xf32, #tpu.memory_space<vmem>>, vector<3x2048xf32>
    %dot_general3A = arith.constant dense<0.000000e+00> : vector<48x2048xf32>
    %dot_general3A_110 = tpu.matmul %convert_element_type3A_24, %get3A_109, %dot_general3A {dimension_numbers = #tpu.dot_dimension_numbers<[1], [0], [0], [1], [0, 0, 1, 1], [], []>, transpose_lhs_hint = false} : vector<48x3xf32>, vector<3x2048xf32>, vector<48x2048xf32> -> vector<48x2048xf32>
    %get3A_111 = arith.constant 0 : index
    %get3A_112 = arith.constant 0 : index
    %get3A_113 = vector.load %arg1[%get3A_111, %get3A_112] : memref<4x2048xf32, #tpu.memory_space<vmem>>, vector<4x2048xf32>
    %dot_general3A_114 = arith.constant dense<0.000000e+00> : vector<48x2048xf32>
    %dot_general3A_115 = tpu.matmul %convert_element_type3A_80, %get3A_113, %dot_general3A_114 {dimension_numbers = #tpu.dot_dimension_numbers<[1], [0], [0], [1], [0, 0, 1, 1], [], []>, transpose_lhs_hint = false} : vector<48x4xf32>, vector<4x2048xf32>, vector<48x2048xf32> -> vector<48x2048xf32>
    %add3A_116 = arith.addf %dot_general3A_110, %dot_general3A_115 : vector<48x2048xf32>
    %get3A_117 = arith.constant 0 : index
    %get3A_118 = arith.constant 0 : index
    %get3A_119 = vector.load %arg2[%get3A_117, %get3A_118] : memref<4x2048xf32, #tpu.memory_space<vmem>>, vector<4x2048xf32>
    %dot_general3A_120 = arith.constant dense<0.000000e+00> : vector<48x2048xf32>
    %dot_general3A_121 = tpu.matmul %convert_element_type3A_107, %get3A_119, %dot_general3A_120 {dimension_numbers = #tpu.dot_dimension_numbers<[1], [0], [0], [1], [0, 0, 1, 1], [], []>, transpose_lhs_hint = false} : vector<48x4xf32>, vector<4x2048xf32>, vector<48x2048xf32> -> vector<48x2048xf32>
    %add3A_122 = arith.addf %add3A_116, %dot_general3A_121 : vector<48x2048xf32>
    %reduce_sum3A = arith.constant dense<0.000000e+00> : vector<48xf32>
    %reduce_sum3A_123 = vector.multi_reduction <add>, %add3A_122, %reduce_sum3A [1] : vector<48x2048xf32> to vector<48xf32>
    %broadcast_in_dim3A = vector.shape_cast %reduce_sum3A_123 : vector<48xf32> to vector<48x1xf32>
    %div3A_124 = arith.constant 2.048000e+03 : f32
    %div3A_125 = vector.broadcast %div3A_124 : f32 to vector<48x1xf32>
    %div3A_126 = arith.divf %broadcast_in_dim3A, %div3A_125 : vector<48x1xf32>
    %sub3A_127 = vector.broadcast %div3A_126 : vector<48x1xf32> to vector<48x2048xf32>
    %sub3A_128 = arith.subf %add3A_122, %sub3A_127 : vector<48x2048xf32>
    %mul3A = arith.mulf %sub3A_128, %sub3A_128 : vector<48x2048xf32>
    %reduce_sum3A_129 = arith.constant dense<0.000000e+00> : vector<48xf32>
    %reduce_sum3A_130 = vector.multi_reduction <add>, %mul3A, %reduce_sum3A_129 [1] : vector<48x2048xf32> to vector<48xf32>
    %broadcast_in_dim3A_131 = vector.shape_cast %reduce_sum3A_130 : vector<48xf32> to vector<48x1xf32>
    %div3A_132 = arith.constant 2.048000e+03 : f32
    %div3A_133 = vector.broadcast %div3A_132 : f32 to vector<48x1xf32>
    %div3A_134 = arith.divf %broadcast_in_dim3A_131, %div3A_133 : vector<48x1xf32>
    %add3A_135 = arith.constant 9.99999974E-6 : f32
    %add3A_136 = vector.broadcast %add3A_135 : f32 to vector<48x1xf32>
    %add3A_137 = arith.addf %div3A_134, %add3A_136 : vector<48x1xf32>
    %rsqrt3A = math.rsqrt %add3A_137 : vector<48x1xf32>
    %mul3A_138 = vector.broadcast %rsqrt3A : vector<48x1xf32> to vector<48x2048xf32>
    %mul3A_139 = arith.mulf %sub3A_128, %mul3A_138 : vector<48x2048xf32>
    %get3A_140 = arith.constant 0 : index
    %get3A_141 = arith.constant 0 : index
    %get3A_142 = vector.load %arg3[%get3A_140, %get3A_141] : memref<1x2048xf32, #tpu.memory_space<vmem>>, vector<1x2048xf32>
    %mul3A_143 = vector.broadcast %get3A_142 : vector<1x2048xf32> to vector<48x2048xf32>
    %mul3A_144 = arith.mulf %mul3A_139, %mul3A_143 : vector<48x2048xf32>
    %get3A_145 = arith.constant 0 : index
    %get3A_146 = arith.constant 0 : index
    %get3A_147 = vector.load %arg4[%get3A_145, %get3A_146] : memref<1x2048xf32, #tpu.memory_space<vmem>>, vector<1x2048xf32>
    %add3A_148 = vector.broadcast %get3A_147 : vector<1x2048xf32> to vector<48x2048xf32>
    %add3A_149 = arith.addf %mul3A_144, %add3A_148 : vector<48x2048xf32>
    %swap3A = arith.constant 0 : index
    %swap3A_150 = arith.constant 0 : index
    %swap3A_151 = vector.load %arg5[%swap3A, %swap3A_150] : memref<768x2048xf32, #tpu.memory_space<vmem>>, vector<48x2048xf32>
    tpu.vector_store %arg5[%swap3A, %swap3A_150], %add3A_149 {strides = array<i32>} : memref<768x2048xf32, #tpu.memory_space<vmem>>, vector<48x2048xf32>,
    %swap3A_152 = arith.constant 48 : index
    %swap3A_153 = arith.constant 0 : index
    %swap3A_154 = vector.load %arg5[%swap3A_152, %swap3A_153] : memref<768x2048xf32, #tpu.memory_space<vmem>>, vector<48x2048xf32>
    tpu.vector_store %arg5[%swap3A_152, %swap3A_153], %add3A_149 {strides = array<i32>} : memref<768x2048xf32, #tpu.memory_space<vmem>>, vector<48x2048xf32>,
    %swap3A_155 = arith.constant 96 : index
    %swap3A_156 = arith.constant 0 : index
    %swap3A_157 = vector.load %arg5[%swap3A_155, %swap3A_156] : memref<768x2048xf32, #tpu.memory_space<vmem>>, vector<48x2048xf32>
    tpu.vector_store %arg5[%swap3A_155, %swap3A_156], %add3A_149 {strides = array<i32>} : memref<768x2048xf32, #tpu.memory_space<vmem>>, vector<48x2048xf32>,
    %swap3A_158 = arith.constant 144 : index
    %swap3A_159 = arith.constant 0 : index
    %swap3A_160 = vector.load %arg5[%swap3A_158, %swap3A_159] : memref<768x2048xf32, #tpu.memory_space<vmem>>, vector<48x2048xf32>
    tpu.vector_store %arg5[%swap3A_158, %swap3A_159], %add3A_149 {strides = array<i32>} : memref<768x2048xf32, #tpu.memory_space<vmem>>, vector<48x2048xf32>,
    %swap3A_161 = arith.constant 192 : index
    %swap3A_162 = arith.constant 0 : index
    %swap3A_163 = vector.load %arg5[%swap3A_161, %swap3A_162] : memref<768x2048xf32, #tpu.memory_space<vmem>>, vector<48x2048xf32>
    tpu.vector_store %arg5[%swap3A_161, %swap3A_162], %add3A_149 {strides = array<i32>} : memref<768x2048xf32, #tpu.memory_space<vmem>>, vector<48x2048xf32>,
    %swap3A_164 = arith.constant 240 : index
    %swap3A_165 = arith.constant 0 : index
    %swap3A_166 = vector.load %arg5[%swap3A_164, %swap3A_165] : memref<768x2048xf32, #tpu.memory_space<vmem>>, vector<48x2048xf32>
    tpu.vector_store %arg5[%swap3A_164, %swap3A_165], %add3A_149 {strides = array<i32>} : memref<768x2048xf32, #tpu.memory_space<vmem>>, vector<48x2048xf32>,
    %swap3A_167 = arith.constant 288 : index
    %swap3A_168 = arith.constant 0 : index
    %swap3A_169 = vector.load %arg5[%swap3A_167, %swap3A_168] : memref<768x2048xf32, #tpu.memory_space<vmem>>, vector<48x2048xf32>
    tpu.vector_store %arg5[%swap3A_167, %swap3A_168], %add3A_149 {strides = array<i32>} : memref<768x2048xf32, #tpu.memory_space<vmem>>, vector<48x2048xf32>,
    %swap3A_170 = arith.constant 336 : index
    %swap3A_171 = arith.constant 0 : index
    %swap3A_172 = vector.load %arg5[%swap3A_170, %swap3A_171] : memref<768x2048xf32, #tpu.memory_space<vmem>>, vector<48x2048xf32>
    tpu.vector_store %arg5[%swap3A_170, %swap3A_171], %add3A_149 {strides = array<i32>} : memref<768x2048xf32, #tpu.memory_space<vmem>>, vector<48x2048xf32>,
    %swap3A_173 = arith.constant 384 : index
    %swap3A_174 = arith.constant 0 : index
    %swap3A_175 = vector.load %arg5[%swap3A_173, %swap3A_174] : memref<768x2048xf32, #tpu.memory_space<vmem>>, vector<48x2048xf32>
    tpu.vector_store %arg5[%swap3A_173, %swap3A_174], %add3A_149 {strides = array<i32>} : memref<768x2048xf32, #tpu.memory_space<vmem>>, vector<48x2048xf32>,
    %swap3A_176 = arith.constant 432 : index
    %swap3A_177 = arith.constant 0 : index
    %swap3A_178 = vector.load %arg5[%swap3A_176, %swap3A_177] : memref<768x2048xf32, #tpu.memory_space<vmem>>, vector<48x2048xf32>
    tpu.vector_store %arg5[%swap3A_176, %swap3A_177], %add3A_149 {strides = array<i32>} : memref<768x2048xf32, #tpu.memory_space<vmem>>, vector<48x2048xf32>,
    %swap3A_179 = arith.constant 480 : index
    %swap3A_180 = arith.constant 0 : index
    %swap3A_181 = vector.load %arg5[%swap3A_179, %swap3A_180] : memref<768x2048xf32, #tpu.memory_space<vmem>>, vector<48x2048xf32>
    tpu.vector_store %arg5[%swap3A_179, %swap3A_180], %add3A_149 {strides = array<i32>} : memref<768x2048xf32, #tpu.memory_space<vmem>>, vector<48x2048xf32>,
    %swap3A_182 = arith.constant 528 : index
    %swap3A_183 = arith.constant 0 : index
    %swap3A_184 = vector.load %arg5[%swap3A_182, %swap3A_183] : memref<768x2048xf32, #tpu.memory_space<vmem>>, vector<48x2048xf32>
    tpu.vector_store %arg5[%swap3A_182, %swap3A_183], %add3A_149 {strides = array<i32>} : memref<768x2048xf32, #tpu.memory_space<vmem>>, vector<48x2048xf32>,
    %swap3A_185 = arith.constant 576 : index
    %swap3A_186 = arith.constant 0 : index
    %swap3A_187 = vector.load %arg5[%swap3A_185, %swap3A_186] : memref<768x2048xf32, #tpu.memory_space<vmem>>, vector<48x2048xf32>
    tpu.vector_store %arg5[%swap3A_185, %swap3A_186], %add3A_149 {strides = array<i32>} : memref<768x2048xf32, #tpu.memory_space<vmem>>, vector<48x2048xf32>,
    %swap3A_188 = arith.constant 624 : index
    %swap3A_189 = arith.constant 0 : index
    %swap3A_190 = vector.load %arg5[%swap3A_188, %swap3A_189] : memref<768x2048xf32, #tpu.memory_space<vmem>>, vector<48x2048xf32>
    tpu.vector_store %arg5[%swap3A_188, %swap3A_189], %add3A_149 {strides = array<i32>} : memref<768x2048xf32, #tpu.memory_space<vmem>>, vector<48x2048xf32>,
    %swap3A_191 = arith.constant 672 : index
    %swap3A_192 = arith.constant 0 : index
    %swap3A_193 = vector.load %arg5[%swap3A_191, %swap3A_192] : memref<768x2048xf32, #tpu.memory_space<vmem>>, vector<48x2048xf32>
    tpu.vector_store %arg5[%swap3A_191, %swap3A_192], %add3A_149 {strides = array<i32>} : memref<768x2048xf32, #tpu.memory_space<vmem>>, vector<48x2048xf32>,
    %swap3A_194 = arith.constant 720 : index
    %swap3A_195 = arith.constant 0 : index
    %swap3A_196 = vector.load %arg5[%swap3A_194, %swap3A_195] : memref<768x2048xf32, #tpu.memory_space<vmem>>, vector<48x2048xf32>
    tpu.vector_store %arg5[%swap3A_194, %swap3A_195], %add3A_149 {strides = array<i32>} : memref<768x2048xf32, #tpu.memory_space<vmem>>, vector<48x2048xf32>,
    return
  }
}

</mosaic_0001>

<sc_bundles>
// kernel: kernel.4.cloned.1.call-start
scs
__scs_entry_jumppad:
0x0: {  	(pc) =	sbr.rel $0x88, $3  }
0x1: {  	(tag) =	ssettag $0x0;
	lr =	simm.s32 $0x1  }
0x2: {  	[smem:$0x3F99] =	sst lr;
	_ =	strace $0xD0000000  }
0x3: {  	_ = 	snop  }
0x4: {  	_ = 	snop  }
0x5: {  	_ = 	snop  }
0x6: {  	_ = 	snop  }
0x7: {  	_ = 	snop  }
__scs_overlays_trampoline_lowered:
0x8: {  	[smem:$0x3FA8] =	sst s0  }
0x9: {  	[smem:$0x3FA9] =	sst s1  }
0xa: {  	[smem:$0x3FAA] =	sst s2  }
0xb: {  	[smem:$0x3FAB] =	sst s3  }
0xc: {  	[smem:$0x3FAC] =	sst s4  }
0xd: {  	[smem:$0x3FAD] =	sst s5  }
0xe: {  	[smem:$0x3FAE] =	sst s6  }
0xf: {  	[smem:$0x3FAF] =	sst s7  }
0x10: {  	[smem:$0x3FB0] =	sst s8  }
0x11: {  	[smem:$0x3FB1] =	sst s9;
	s0 =	simm.s32 @!p0 $0x0  }
0x12: {  	s1 =	sld [smem:$0x3F97];
	s0 =	simm.s32 @p0 $0x1  }
0x13: {  	[smem:$0x3FB2] =	sst s0;
	s0 =	simm.s32 @!p1 $0x0  }
0x14: {  	s2 =	sld [smem:$0x3F96];
	s0 =	simm.s32 @p1 $0x1  }
0x15: {  	[smem:$0x3FB3] =	sst s0;
	s0 =	simm.s32 @!p2 $0x0  }
0x16: {  	s3 =	sld [smem:$0x3FDB];
	s0 =	simm.s32 @p2 $0x1  }
0x17: {  	s4 =	simm.s32 $0x1BF5;
	[smem:$0x3FB5] =	sst s0  }
0x18: {  	s0 =	sld [smem:$0x3F98];
	_ =	swait.ge [sflag:s4], $0x0  }
0x19: {  	s7 =	sld [smem:$0x3F99]  }
0x1a: {  	s8 =	sadd.s32 $0xFFFFE003, lr  }
0x1b: {  	s9 =	sadd.s32 $0xFFFFFEF7, lr;
	s5 =	simm.s32 $0xFFFFFFFF;
	p2 =	slt.u32 s8, $0xFFFFF086  }
0x1c: {  	p1 =	slt.u32 s9, $0xF7A;
	s5 =	simm.s32 @!p2 $0x0  }
0x1d: {  	s5 =	simm.s32 @p1 $0x1;
	p0 =	seq.s32 s7, s2  }
0x1e: {  	s7 =	smul.u32 @!p0 $0xF7A, s2;
	p2 =	seq.s32 @!p0 s5, $0x0  }
0x1f: {  	s9 =	smul.u32 $0xF7A, s1;
	s8 =	simm.s32 @!p0 $0x1BF5;
	p2 =	por !p2, p0  }
0x20: {  	[sflag:s8] =	ssyncset.s32 @!p0 $0xFFFFF086;
	s6 =	sadd.s32 @!p0 s3, s7;
	s7 =	simm.s32 @!p0 $0x108  }
0x21: {  	s3 =	sadd.s32 s3, s9;
	s6 =	sadd.s32 @!p0 $0x88, s6;
	s7 =	simm.s32 @p2 $0x1082  }
0x22: {  	[simem:s7], [sflag:s8] =	dma.local @!p0 [hbm:s6], $0xF7A  }
0x23: {  	s9 =	sor.u32 $0xD0000000, s2;
	s6 =	simm.s32 $0x108;
	_ =	swait.ge @!p0 [sflag:s8], $0x0  }
0x24: {  	s3 =	sadd.s32 $0x88, s3;
	s6 =	simm.s32 @!p1 $0x1082;
	[sflag:s4] =	ssyncset.s32 $0xFFFFF086  }
0x25: {  	[simem:s6], [sflag:s4] =	dma.local [hbm:s3], $0xF7A  }
0x26: {  	[smem:$0x3F99] =	sst s1;
	(tag) =	ssettag s2;
	_ =	strace s9  }
0x27: {  	s1 =	sld [smem:$0x3FA9]  }
0x28: {  	s2 =	sld [smem:$0x3FAA]  }
0x29: {  	s4 =	sld [smem:$0x3FAC]  }
0x2a: {  	p0 =	seq.s32 s5, $0x0;
	s5 =	sld [smem:$0x3FAD]  }
0x2b: {  	s6 =	sld [smem:$0x3FAE]  }
0x2c: {  	s7 =	sld [smem:$0x3FAF]  }
0x2d: {  	s3 =	simm.s32 $0x108;
	s8 =	sld [smem:$0x3FB0]  }
0x2e: {  	s3 =	simm.s32 @!p0 $0x1082;
	s9 =	sld [smem:$0x3FB1]  }
0x2f: {  	lr =	sadd.s32 s0, s3;
	s0 =	sld [smem:$0x3FA8]  }
0x30: {  	s3 =	sld [smem:$0x3FAB]  }
0x31: {  	[smem:$0x3FB4] =	sst s10  }
0x32: {  	s10 =	sld [smem:$0x3FB2];
	_ =	sdelay $0x3  }
0x33: {  	p0 =	seq.s32 s10, $0x1;
	s10 =	sld [smem:$0x3FB4];
	_ =	sdelay $0x3  }
0x34: {  	[smem:$0x3FB4] =	sst s10  }
0x35: {  	s10 =	sld [smem:$0x3FB3];
	_ =	sdelay $0x3  }
0x36: {  	p1 =	seq.s32 s10, $0x1;
	s10 =	sld [smem:$0x3FB4];
	_ =	sdelay $0x3  }
0x37: {  	[smem:$0x3FB4] =	sst s10  }
0x38: {  	s10 =	sld [smem:$0x3FB5]  }
0x39: {  	_ = 	snop;
	(pc) =	sbr.ind lr, $3  }
0x3a: {  	_ = 	snop  }
0x3b: {  	_ = 	snop  }
0x3c: {  	p2 =	seq.s32 s10, $0x1;
	s10 =	sld [smem:$0x3FB4]  }
0x3d: {  	_ =	shalt  }
0x3e: {  	_ =	shalt  }
0x3f: {  	_ =	shalt  }
0x40: {  	_ =	shalt  }
0x41: {  	_ =	shalt  }
0x42: {  	_ =	shalt  }
0x43: {  	_ =	shalt  }
0x44: {  	_ =	shalt  }
0x45: {  	_ =	shalt  }
0x46: {  	_ =	shalt  }
0x47: {  	_ =	shalt  }
0x48: {  	_ =	shalt  }
0x49: {  	_ =	shalt  }
0x4a: {  	_ =	shalt  }
0x4b: {  	_ =	shalt  }
0x4c: {  	_ =	shalt  }
0x4d: {  	_ =	shalt  }
0x4e: {  	_ =	shalt  }
0x4f: {  	_ =	shalt  }
0x50: {  	_ =	shalt  }
0x51: {  	_ =	shalt  }
0x52: {  	_ =	shalt  }
0x53: {  	_ =	shalt  }
0x54: {  	_ =	shalt  }
0x55: {  	_ =	shalt  }
0x56: {  	_ =	shalt  }
0x57: {  	_ =	shalt  }
0x58: {  	_ =	shalt  }
0x59: {  	_ =	shalt  }
0x5a: {  	_ =	shalt  }
0x5b: {  	_ =	shalt  }
0x5c: {  	_ =	shalt  }
0x5d: {  	_ =	shalt  }
0x5e: {  	_ =	shalt  }
0x5f: {  	_ =	shalt  }
0x60: {  	_ =	shalt  }
0x61: {  	_ =	shalt  }
0x62: {  	_ =	shalt  }
0x63: {  	_ =	shalt  }
0x64: {  	_ =	shalt  }
0x65: {  	_ =	shalt  }
0x66: {  	_ =	shalt  }
0x67: {  	_ =	shalt  }
0x68: {  	_ =	shalt  }
0x69: {  	_ =	shalt  }
0x6a: {  	_ =	shalt  }
0x6b: {  	_ =	shalt  }
0x6c: {  	_ =	shalt  }
0x6d: {  	_ =	shalt  }
0x6e: {  	_ =	shalt  }
0x6f: {  	_ =	shalt  }
0x70: {  	_ =	shalt  }
0x71: {  	_ =	shalt  }
0x72: {  	_ =	shalt  }
0x73: {  	_ =	shalt  }
0x74: {  	_ =	shalt  }
0x75: {  	_ =	shalt  }
0x76: {  	_ =	shalt  }
0x77: {  	_ =	shalt  }
0x78: {  	_ =	shalt  }
0x79: {  	_ =	shalt  }
0x7a: {  	_ =	shalt  }
0x7b: {  	_ =	shalt  }
0x7c: {  	_ =	shalt  }
0x7d: {  	_ =	shalt  }
0x7e: {  	_ =	shalt  }
0x7f: {  	_ =	shalt  }
0x80: {  	_ =	shalt  }
0x81: {  	_ =	shalt  }
0x82: {  	_ =	shalt  }
0x83: {  	_ =	shalt  }
0x84: {  	_ =	shalt  }
0x85: {  	_ =	shalt  }
0x86: {  	_ =	shalt  }
0x87: {  	_ =	shalt  }
.Lfunc_end0:
.L_simem_size_0:
called_computation_lowered:
.L_overlay_start_0:
0x88: {  	s2 =	sld [smem:$0x3FD9]  }
0x89: {  	s3 =	sld [smem:$0x3FFE];
	_ =	sdelay $0x1  }
0x8a: {  	s1 =	srdreg.scid  }
0x8b: {  	s0 =	sand.u32 $0x1, s1  }
0x8c: {  	s17 =	sshll.u32 s0, $0xA;
	s2 =	sadd.s32 s3, s2  }
0x8d: {  	s2 =	sadd.s32 s2, s17  }
0x8e: {  	[smem:$0x3FC0] =	sst s2  }
0x8f: {  	_ = 	snop  }
0x90: {  	s2 =	sld [smem:$0x3FC9]  }
0x91: {  	s18 =	sld [smem:$0x3FC8]  }
0x92: {  	s4 =	sld [smem:$0x3FC7]  }
0x93: {  	s5 =	sld [smem:$0x3FD0];
	(tm) =	ssettm $0x1  }
0x94: {  	s6 =	sld [smem:$0x3FFB];
	_ =	sdelay $0x3  }
0x95: {  	_ =	strace s6  }
0x96: {  	s6 =	sld [smem:$0x3FFC];
	_ =	sdelay $0x3  }
0x97: {  	_ =	strace s6  }
0x98: {  	s6 =	sld [smem:$0x3FFD];
	_ =	sdelay $0x3  }
0x99: {  	_ =	strace s6  }
0x9a: {  	_ =	strace $0x8FFFFFFF  }
0x9b: {  	s19 =	sld [smem:$0x3FDB];
	_ =	sdelay $0x1  }
0x9c: {  	s7 =	simm.s32 $_scs_section_size  }
0x9d: {  	s8 =	simm.s32 $_size__tile_overlayer_lowered;
	s9 =	simm.s32 $_tile_overlayer_lowered  }
0x9e: {  	s22 =	simm.s32 $0x1BFF;
	s21 =	sshll.u32 s9, $0x1;
	s6 =	sadd.s32 s7, s19  }
0x9f: {  	s10 =	simm.s32 $0x0;
	s20 =	sshll.u32 s8, $0x1;
	s8 =	sadd.s32 s21, s6  }
0xa0: {  	[timem:s10], [sflag:s22] =	dma.local [hbm:s8], s20  }
0xa1: {  	_ =	swait.ge [sflag:s22], s20  }
0xa2: {  	s7 =	ssub.s32 $0x0, s20;
	[sflag:s22] =	ssyncset.done $0x0  }
0xa3: {  	[sflag:s22] =	ssyncadd.s32 s7;
	_ =	sdelay $0x1  }
0xa4: {  	s23 =	simm.s32 $0x1B8B  }
0xa5: {  	_ =	swait.ge [sflag:s23], $0x1  }
0xa6: {  	[sflag:s23] =	ssyncset.done $0x0  }
0xa7: {  	s25 =	simm.s32 $0x1B8E;
	s24 =	sld [smem:$0x3FFE];
	[sflag:s23] =	ssyncadd.s32 $0xFFFFFFFF  }
0xa8: {  	s26 =	simm.s32 $execute0_lowered;
	[smem:$0x3FD2] =	sst s25  }
0xa9: {  	s8 =	sshll.u32 s26, $0x1;
	_ =	strace $0x80000046;
	[dreg:$0x1] =	wrdreg $0xFFFFFFFF  }
0xaa: {  	s28 =	simm.s32 $_size_execute0_lowered;
	s6 =	sadd.s32 s6, s8;
	[dreg:$0x0] =	wrdreg $0x0  }
0xab: {  	s8 =	sshll.u32 s28, $0x1;
	[dreg:$0x2] =	wrdreg s6  }
0xac: {  	[dreg:$0x3] =	wrdreg s8  }
0xad: {  	[dreg:$0x4] =	wrdreg $0xC0  }
0xae: {  	_ =	task [dreg:s10], $0x5FFFF  }
0xaf: {  	[dreg:$0x1] =	wrdreg $0xFFFFFFFF  }
0xb0: {  	[dreg:$0x0] =	wrdreg $0x60  }
0xb1: {  	[dreg:$0x2] =	wrdreg s24  }
0xb2: {  	[dreg:$0x3] =	wrdreg s2  }
0xb3: {  	[dreg:$0x4] =	wrdreg s18  }
0xb4: {  	[dreg:$0x5] =	wrdreg s4  }
0xb5: {  	[dreg:$0x6] =	wrdreg s5  }
0xb6: {  	[dreg:$0x7] =	wrdreg $0x9  }
0xb7: {  	_ =	task.clear_ibuf [dreg:s10], $0x8FFFF;
	_ =	strace $0x90000046  }
0xb8: {  	s29 =	simm.s32 $0x9;
	_ =	strace $0x80000048  }
0xb9: {  	_ =	swait.ge [sflag:s29], $0x1  }
0xba: {  	[sflag:s29] =	ssyncadd.s32 $0xFFFFFFFF  }
0xbb: {  	_ =	strace $0x90000048  }
0xbc: {  	_ =	sfence  }
0xbd: {  	s30 =	sld [smem:$0x0];
	_ =	sdelay $0x2  }
0xbe: {  	s31 =	sshll.u32 s1, $0xD;
	s1 =	sshrl.u32 s1, $0x2  }
0xbf: {  	s3 =	sand.u32 $0x4000, s31;
	s1 =	sadd.s32 s1, s30  }
0xc0: {  	s0 =	sor.u32 s3, s0;
	s1 =	sshll.u32 s1, $0x11  }
0xc1: {  	s0 =	sor.u32 s1, s0  }
0xc2: {  	s0 =	sadd.s32 $0x8F2B, s0  }
0xc3: {  	[sflag:s0] =	ssyncadd.remote.s32 $0x1  }
0xc4: {  	_ =	sfence.sel $0xFFFF  }
0xc5: {  	[dreg:$0x0] =	wrdreg $0xFFFFFFFF;
	(pc) =	sbr.abs _section_cstart, $3  }
0xc6: {  	[dreg:$0x1] =	wrdreg $0xFFFFFFFF  }
0xc7: {  	_ =	task.clear_ibuf [dreg:s10], $0x2FFFF;
	_ =	strace $0x9FFFFFFF  }
0xc8: {  	(tm) =	ssettm $0x7FFFFFFF  }
0xc9: {  	_ =	shalt  }
tec
execute0_lowered:
.L_overlay_start_1:
0x0: {  	(tag) =	ssettag $0x1  }
0x1: {  	s0 =	rddreg [dreg:$0x0]  }
0x2: {  	s1 =	rddreg [dreg:$0x1]  }
0x3: {  	s6 =	rddreg [dreg:$0x2]  }
0x4: {  	s7 =	rddreg [dreg:$0x3]  }
0x5: {  	s2 =	rddreg [dreg:$0x4];
	s3 =	simm.s32 $0x0  }
0x6: {  	s4 =	srdreg.scid;
	s10 =	stileid.u32;
	s28 =	simm.s32 $0x800  }
0x7: {  	s30 =	simm.s32 $0x2;
	[smem:$0x7FF] =	sst s3;
	s4 =	sand.u32 $0x1, s4  }
0x8: {  	s5 =	sshll.u32 s10, $0x1;
	s11 =	sadd.s32 $0x1200, s0;
	s12 =	sadd.s32 $0x1300, s0  }
0x9: {  	s13 =	sadd.s32 $0x1400, s0;
	s14 =	sadd.s32 $0x1500, s0;
	s16 =	sadd.s32 $0x1700, s0  }
0xa: {  	_ =	strace $0x80000047;
	s15 =	sor.u32 s4, s5;
	s22 =	ssub.s32 $0x2, s4  }
0xb: {  	p1 =	seq.s32 s4, $0x1;
	s4 =	sadd.s32 $0x1000, s0;
	p0 =	seq.s32 s15, $0x0  }
0xc: {  	s8 =	sshrl.u32 s22, $0x1;
	s5 =	sshll.u32 s15, $0x9;
	s9 =	sshll.u32 s15, $0x6  }
0xd: {  	s29 =	sshll.u32 s15, $0x11;
	s15 =	sadd.s32 $0x1600, s0;
	p0 =	por !p0, !p1  }
0xe: {  	s24 =	ssub.s32 s22, s8;
	s8 =	simm.s32 $0x1;
	s1 =	sadd.s32 s1, s9  }
0xf: {  	s23 =	sadd.s32 s6, s9;
	s26 =	sadd.s32 s7, s9;
	s9 =	simm.s32 $0x1  }
0x10: {  	s17 =	sadd.s32 s2, s29;
	s18 =	sor.u32 $0x10, s5;
	s19 =	sor.u32 $0x20, s5  }
0x11: {  	s6 =	simm.s32 $0xF800;
	p0 =	por !p0, !p0;
	[dreg:$0x6] =	wrdreg s1  }
0x12: {  	s7 =	simm.s32 $0x10000;
	[dreg:$0x7] =	wrdreg s23;
	s8 =	simm.s32 @!p0 $0x0  }
0x13: {  	[dreg:$0x8] =	wrdreg s26;
	s20 =	sadd.s32 $0x1C000, s17;
	s25 =	ssub.s32 s10, s8  }
0x14: {  	v3 =	vlaneseq.u32;
	s21 =	sadd.s32 $0x1D000, s17;
	s22 =	sadd.s32 $0x1E000, s17;
	s8 =	smul.u32 $0x30, s25  }
0x15: {  	vm0 =	vmmov $0xffff;
	v1 =	vand.u32 $0x7, v3;
	v2 =	vshrl.u32 v3, $0x3;
	s23 =	sadd.s32 $0x1F000, s17;
	s31 =	smax.u32 s24, $0x1;
	s1 =	simm.s32 $0x0  }
0x16: {  	v3 =	vor.u32 $0x8, v3;
	v2 =	vmul.u32 $0x8, v2;
	[dreg:$0x9] =	wrdreg s31;
	s10 =	sadd.s32 $0x1100, s0;
	v0 =	vmov s8;
	s8 =	simm.s32 $0x80  }
.LBB2_1:
0x17: {  	[dreg:$0xa] =	wrdreg s1  }
0x18: {  	s0 =	rddreg [dreg:$0x6]  }
0x19: {  	[tilespmem:s3], [sflag:$0x1] =	stream.linear.gather [hbm4b:s0+s3], $0x200, $0x38;
	[tilespmem:$0x18800] =	vst v63  }
0x1a: {  	s25 =	rddreg [dreg:$0x7];
	s26 =	simm.s32 $0x200  }
0x1b: {  	[tilespmem:s26], [sflag:$0x1] =	stream.linear.gather [hbm4b:s25+s3], $0x200, $0x38;
	[tilespmem:$0x18800] =	vst v63  }
0x1c: {  	s29 =	rddreg [dreg:$0x8];
	s31 =	simm.s32 $0x400  }
0x1d: {  	[tilespmem:s31], [sflag:$0x1] =	stream.linear.gather [hbm4b:s29+s3], $0x200, $0x38;
	[tilespmem:$0x18800] =	vst v63  }
0x1e: {  	_ =	swait.ge [sflag:s9], $0x200  }
0x1f: {  	[sflag:s9] =	ssyncset.done $0x0  }
0x20: {  	[sflag:s9] =	ssyncadd.s32 $0xFFFFFE00  }
0x21: {  	_ =	swait.ge [sflag:s9], $0x200  }
0x22: {  	[sflag:s9] =	ssyncset.done $0x0  }
0x23: {  	[sflag:s9] =	ssyncadd.s32 $0xFFFFFE00  }
0x24: {  	_ =	swait.ge [sflag:s9], $0x200  }
0x25: {  	[sflag:s9] =	ssyncset.done $0x0  }
0x26: {  	s0 =	simm.s32 $0x0;
	[sflag:s9] =	ssyncadd.s32 $0xFFFFFE00  }
0x27: {  	v5 =	vld [tilespmem:s0+$0x0]  }
0x28: {  	v6 =	vld [tilespmem:s0+$0x200];
	_ =	sdelay $0x1  }
0x29: {  	s24 =	simm.s32 $0x40;
	v4 =	vld [tilespmem:s0+$0x400]  }
.LBB2_2:
0x2a: {  	p0 =	sne.s32 s24, $0x7C0  }
.Ltmp0:
0x2b: {  	s29 =	sshra.s32 s24, $0x2;
	s24 =	sadd.s32 $0x40, s24;
	v7 =	vshll.u32 v5, $0x4;
	(pc) =	sbr.rel @p0 .LBB2_2-.Ltmp0, $4  }
0x2c: {  	v5 =	vld [tilespmem:s29+$0x0];
	v8 =	vshll.u32 v6, $0x2;
	v7 =	vadd.s32 v0, v7  }
0x2d: {  	v6 =	vld [tilespmem:s29+$0x200];
	v7 =	vadd.s32 v8, v7  }
0x2e: {  	v7 =	vadd.s32 v4, v7  }
0x2f: {  	v4 =	vld [tilespmem:s29+$0x400];
	[tilespmem:s0+$0x600] =	vst v7;
	s0 =	smov.u32 s29  }
0x30: {  	_ = 	snop  }
0x31: {  	v5 =	vshll.u32 v5, $0x4  }
0x32: {  	v6 =	vshll.u32 v6, $0x2;
	v5 =	vadd.s32 v0, v5  }
0x33: {  	v5 =	vadd.s32 v6, v5  }
0x34: {  	v4 =	vadd.s32 v4, v5  }
0x35: {  	[tilespmem:s0+$0x600] =	vst v4  }
0x36: {  	v4 =	vld [tilespmem:$0x600];
	_ =	sdelay $0x4  }
0x37: {  	v5 =	vshll.u32 v4, $0x4  }
0x38: {  	v4 =	vand.u32 $0x7, v4;
	v5 =	vand.u32 $0xFFFFFF80, v5  }
0x39: {  	v4 =	vor.u32 v4, v5  }
0x3a: {  	v5 =	vperm.xlane v4, v1;
	_ =	sdelay $0x1  }
0x3b: {  	v5 =	vadd.s32 v2, v5;
	_ =	sdelay $0x3  }
0x3c: {  	s24 =	simm.s32 $0x0  }
0x3d: {  	[tilespmem:s28], [sflag:$0x1] =	stream.indirect_vreg.gather [hbm4b:s4+s24], $0x80, v5, vm0, $0xb8;
	[tilespmem:$0x18800] =	vst v63  }
0x3e: {  	s1 =	simm.s32 $0x1000  }
0x3f: {  	[tilespmem:s1], [sflag:$0x1] =	stream.indirect_vreg.gather [hbm4b:s10+s24], $0x80, v5, vm0, $0xb8;
	[tilespmem:$0x18800] =	vst v63  }
0x40: {  	s25 =	simm.s32 $0x1800  }
0x41: {  	[tilespmem:s25], [sflag:$0x1] =	stream.indirect_vreg.gather [hbm4b:s11+s24], $0x80, v5, vm0, $0xb8;
	[tilespmem:$0x18800] =	vst v63  }
0x42: {  	s26 =	simm.s32 $0x2000  }
0x43: {  	[tilespmem:s26], [sflag:$0x1] =	stream.indirect_vreg.gather [hbm4b:s12+s24], $0x80, v5, vm0, $0xb8;
	[tilespmem:$0x18800] =	vst v63  }
0x44: {  	s29 =	simm.s32 $0x2800  }
0x45: {  	[tilespmem:s29], [sflag:$0x1] =	stream.indirect_vreg.gather [hbm4b:s13+s24], $0x80, v5, vm0, $0xb8;
	[tilespmem:$0x18800] =	vst v63  }
0x46: {  	s31 =	simm.s32 $0x3000;
	v4 =	vperm.xlane v4, v3  }
0x47: {  	[tilespmem:s31], [sflag:$0x1] =	stream.indirect_vreg.gather [hbm4b:s14+s24], $0x80, v5, vm0, $0xb8;
	[tilespmem:$0x18800] =	vst v63  }
0x48: {  	v4 =	vadd.s32 v2, v4;
	s1 =	simm.s32 $0x3800  }
0x49: {  	[tilespmem:s1], [sflag:$0x1] =	stream.indirect_vreg.gather [hbm4b:s15+s24], $0x80, v5, vm0, $0xb8;
	[tilespmem:$0x18800] =	vst v63  }
0x4a: {  	s25 =	simm.s32 $0x4000  }
0x4b: {  	[tilespmem:s25], [sflag:$0x1] =	stream.indirect_vreg.gather [hbm4b:s16+s24], $0x80, v5, vm0, $0xb8;
	[tilespmem:$0x18800] =	vst v63  }
0x4c: {  	s26 =	simm.s32 $0x4800  }
0x4d: {  	[tilespmem:s26], [sflag:$0x1] =	stream.indirect_vreg.gather [hbm4b:s4+s24], $0x80, v4, vm0, $0xb8;
	[tilespmem:$0x18800] =	vst v63  }
0x4e: {  	s29 =	simm.s32 $0x5000  }
0x4f: {  	[tilespmem:s29], [sflag:$0x1] =	stream.indirect_vreg.gather [hbm4b:s10+s24], $0x80, v4, vm0, $0xb8;
	[tilespmem:$0x18800] =	vst v63  }
0x50: {  	s31 =	simm.s32 $0x5800  }
0x51: {  	[tilespmem:s31], [sflag:$0x1] =	stream.indirect_vreg.gather [hbm4b:s11+s24], $0x80, v4, vm0, $0xb8;
	[tilespmem:$0x18800] =	vst v63  }
0x52: {  	s1 =	simm.s32 $0x6000  }
0x53: {  	[tilespmem:s1], [sflag:$0x1] =	stream.indirect_vreg.gather [hbm4b:s12+s24], $0x80, v4, vm0, $0xb8;
	[tilespmem:$0x18800] =	vst v63  }
0x54: {  	s25 =	simm.s32 $0x6800  }
0x55: {  	[tilespmem:s25], [sflag:$0x1] =	stream.indirect_vreg.gather [hbm4b:s13+s24], $0x80, v4, vm0, $0xb8;
	[tilespmem:$0x18800] =	vst v63  }
0x56: {  	s26 =	simm.s32 $0x7000  }
0x57: {  	[tilespmem:s26], [sflag:$0x1] =	stream.indirect_vreg.gather [hbm4b:s14+s24], $0x80, v4, vm0, $0xb8;
	[tilespmem:$0x18800] =	vst v63  }
0x58: {  	s29 =	simm.s32 $0x7800  }
0x59: {  	[tilespmem:s29], [sflag:$0x1] =	stream.indirect_vreg.gather [hbm4b:s15+s24], $0x80, v4, vm0, $0xb8;
	[tilespmem:$0x18800] =	vst v63  }
0x5a: {  	s31 =	simm.s32 $0x8000  }
0x5b: {  	[tilespmem:s31], [sflag:$0x1] =	stream.indirect_vreg.gather [hbm4b:s16+s24], $0x80, v4, vm0, $0xb8;
	[tilespmem:$0x18800] =	vst v63  }
0x5c: {  	v4 =	vld [tilespmem:$0x610];
	_ =	sdelay $0x4  }
0x5d: {  	v5 =	vshll.u32 v4, $0x4  }
0x5e: {  	v4 =	vand.u32 $0x7, v4;
	v5 =	vand.u32 $0xFFFFFF80, v5  }
0x5f: {  	v4 =	vor.u32 v4, v5  }
0x60: {  	v5 =	vperm.xlane v4, v1;
	_ =	sdelay $0x1  }
0x61: {  	v5 =	vadd.s32 v2, v5;
	_ =	sdelay $0x3  }
0x62: {  	s1 =	simm.s32 $0x8800  }
0x63: {  	[tilespmem:s1], [sflag:$0x1] =	stream.indirect_vreg.gather [hbm4b:s4+s24], $0x80, v5, vm0, $0xb8;
	[tilespmem:$0x18800] =	vst v63  }
0x64: {  	s25 =	simm.s32 $0x9000  }
0x65: {  	[tilespmem:s25], [sflag:$0x1] =	stream.indirect_vreg.gather [hbm4b:s10+s24], $0x80, v5, vm0, $0xb8;
	[tilespmem:$0x18800] =	vst v63  }
0x66: {  	s26 =	simm.s32 $0x9800  }
0x67: {  	[tilespmem:s26], [sflag:$0x1] =	stream.indirect_vreg.gather [hbm4b:s11+s24], $0x80, v5, vm0, $0xb8;
	[tilespmem:$0x18800] =	vst v63  }
0x68: {  	s29 =	simm.s32 $0xA000  }
0x69: {  	[tilespmem:s29], [sflag:$0x1] =	stream.indirect_vreg.gather [hbm4b:s12+s24], $0x80, v5, vm0, $0xb8;
	[tilespmem:$0x18800] =	vst v63  }
0x6a: {  	s31 =	simm.s32 $0xA800  }
0x6b: {  	[tilespmem:s31], [sflag:$0x1] =	stream.indirect_vreg.gather [hbm4b:s13+s24], $0x80, v5, vm0, $0xb8;
	[tilespmem:$0x18800] =	vst v63  }
0x6c: {  	v4 =	vperm.xlane v4, v3;
	s1 =	simm.s32 $0xB000  }
0x6d: {  	[tilespmem:s1], [sflag:$0x1] =	stream.indirect_vreg.gather [hbm4b:s14+s24], $0x80, v5, vm0, $0xb8;
	[tilespmem:$0x18800] =	vst v63  }
0x6e: {  	v4 =	vadd.s32 v2, v4;
	s25 =	simm.s32 $0xB800  }
0x6f: {  	[tilespmem:s25], [sflag:$0x1] =	stream.indirect_vreg.gather [hbm4b:s15+s24], $0x80, v5, vm0, $0xb8;
	[tilespmem:$0x18800] =	vst v63  }
0x70: {  	s26 =	simm.s32 $0xC000  }
0x71: {  	[tilespmem:s26], [sflag:$0x1] =	stream.indirect_vreg.gather [hbm4b:s16+s24], $0x80, v5, vm0, $0xb8;
	[tilespmem:$0x18800] =	vst v63  }
0x72: {  	s29 =	simm.s32 $0xC800  }
0x73: {  	[tilespmem:s29], [sflag:$0x1] =	stream.indirect_vreg.gather [hbm4b:s4+s24], $0x80, v4, vm0, $0xb8;
	[tilespmem:$0x18800] =	vst v63  }
0x74: {  	s31 =	simm.s32 $0xD000  }
0x75: {  	[tilespmem:s31], [sflag:$0x1] =	stream.indirect_vreg.gather [hbm4b:s10+s24], $0x80, v4, vm0, $0xb8;
	[tilespmem:$0x18800] =	vst v63  }
0x76: {  	s1 =	simm.s32 $0xD800  }
0x77: {  	[tilespmem:s1], [sflag:$0x1] =	stream.indirect_vreg.gather [hbm4b:s11+s24], $0x80, v4, vm0, $0xb8;
	[tilespmem:$0x18800] =	vst v63  }
0x78: {  	s25 =	simm.s32 $0xE000  }
0x79: {  	[tilespmem:s25], [sflag:$0x1] =	stream.indirect_vreg.gather [hbm4b:s12+s24], $0x80, v4, vm0, $0xb8;
	[tilespmem:$0x18800] =	vst v63  }
0x7a: {  	s26 =	simm.s32 $0xE800  }
0x7b: {  	[tilespmem:s26], [sflag:$0x1] =	stream.indirect_vreg.gather [hbm4b:s13+s24], $0x80, v4, vm0, $0xb8;
	[tilespmem:$0x18800] =	vst v63  }
0x7c: {  	s29 =	simm.s32 $0xF000  }
0x7d: {  	[tilespmem:s29], [sflag:$0x1] =	stream.indirect_vreg.gather [hbm4b:s14+s24], $0x80, v4, vm0, $0xb8;
	[tilespmem:$0x18800] =	vst v63  }
0x7e: {  	_ = 	snop  }
0x7f: {  	[tilespmem:s6], [sflag:$0x1] =	stream.indirect_vreg.gather [hbm4b:s15+s24], $0x80, v4, vm0, $0xb8;
	[tilespmem:$0x18800] =	vst v63  }
0x80: {  	_ = 	snop  }
0x81: {  	[tilespmem:s7], [sflag:$0x1] =	stream.indirect_vreg.gather [hbm4b:s16+s24], $0x80, v4, vm0, $0xb8;
	[tilespmem:$0x18800] =	vst v63  }
0x82: {  	v4 =	vld [tilespmem:$0x620];
	_ =	sdelay $0x4  }
0x83: {  	v5 =	vshll.u32 v4, $0x4  }
0x84: {  	v4 =	vand.u32 $0x7, v4;
	v5 =	vand.u32 $0xFFFFFF80, v5  }
0x85: {  	v4 =	vor.u32 v4, v5  }
0x86: {  	v5 =	vperm.xlane v4, v1;
	_ =	sdelay $0x1  }
0x87: {  	v5 =	vadd.s32 v2, v5;
	_ =	sdelay $0x3  }
0x88: {  	s31 =	simm.s32 $0x10800  }
0x89: {  	[tilespmem:s31], [sflag:$0x1] =	stream.indirect_vreg.gather [hbm4b:s4+s24], $0x80, v5, vm0, $0xb8;
	[tilespmem:$0x18800] =	vst v63  }
0x8a: {  	s1 =	simm.s32 $0x11000  }
0x8b: {  	[tilespmem:s1], [sflag:$0x1] =	stream.indirect_vreg.gather [hbm4b:s10+s24], $0x80, v5, vm0, $0xb8;
	[tilespmem:$0x18800] =	vst v63  }
0x8c: {  	s25 =	simm.s32 $0x11800  }
0x8d: {  	[tilespmem:s25], [sflag:$0x1] =	stream.indirect_vreg.gather [hbm4b:s11+s24], $0x80, v5, vm0, $0xb8;
	[tilespmem:$0x18800] =	vst v63  }
0x8e: {  	s26 =	simm.s32 $0x12000  }
0x8f: {  	[tilespmem:s26], [sflag:$0x1] =	stream.indirect_vreg.gather [hbm4b:s12+s24], $0x80, v5, vm0, $0xb8;
	[tilespmem:$0x18800] =	vst v63  }
0x90: {  	s29 =	simm.s32 $0x12800  }
0x91: {  	[tilespmem:s29], [sflag:$0x1] =	stream.indirect_vreg.gather [hbm4b:s13+s24], $0x80, v5, vm0, $0xb8;
	[tilespmem:$0x18800] =	vst v63  }
0x92: {  	v4 =	vperm.xlane v4, v3;
	s31 =	simm.s32 $0x13000  }
0x93: {  	[tilespmem:s31], [sflag:$0x1] =	stream.indirect_vreg.gather [hbm4b:s14+s24], $0x80, v5, vm0, $0xb8;
	[tilespmem:$0x18800] =	vst v63  }
0x94: {  	v4 =	vadd.s32 v2, v4;
	s1 =	simm.s32 $0x13800  }
0x95: {  	[tilespmem:s1], [sflag:$0x1] =	stream.indirect_vreg.gather [hbm4b:s15+s24], $0x80, v5, vm0, $0xb8;
	[tilespmem:$0x18800] =	vst v63  }
0x96: {  	s25 =	simm.s32 $0x14000  }
0x97: {  	[tilespmem:s25], [sflag:$0x1] =	stream.indirect_vreg.gather [hbm4b:s16+s24], $0x80, v5, vm0, $0xb8;
	[tilespmem:$0x18800] =	vst v63  }
0x98: {  	s26 =	simm.s32 $0x14800  }
0x99: {  	[tilespmem:s26], [sflag:$0x1] =	stream.indirect_vreg.gather [hbm4b:s4+s24], $0x80, v4, vm0, $0xb8;
	[tilespmem:$0x18800] =	vst v63  }
0x9a: {  	s29 =	simm.s32 $0x15000  }
0x9b: {  	[tilespmem:s29], [sflag:$0x1] =	stream.indirect_vreg.gather [hbm4b:s10+s24], $0x80, v4, vm0, $0xb8;
	[tilespmem:$0x18800] =	vst v63  }
0x9c: {  	s31 =	simm.s32 $0x15800  }
0x9d: {  	[tilespmem:s31], [sflag:$0x1] =	stream.indirect_vreg.gather [hbm4b:s11+s24], $0x80, v4, vm0, $0xb8;
	[tilespmem:$0x18800] =	vst v63  }
0x9e: {  	s1 =	simm.s32 $0x16000  }
0x9f: {  	[tilespmem:s1], [sflag:$0x1] =	stream.indirect_vreg.gather [hbm4b:s12+s24], $0x80, v4, vm0, $0xb8;
	[tilespmem:$0x18800] =	vst v63  }
0xa0: {  	s25 =	simm.s32 $0x16800  }
0xa1: {  	[tilespmem:s25], [sflag:$0x1] =	stream.indirect_vreg.gather [hbm4b:s13+s24], $0x80, v4, vm0, $0xb8;
	[tilespmem:$0x18800] =	vst v63  }
0xa2: {  	s26 =	simm.s32 $0x17000  }
0xa3: {  	[tilespmem:s26], [sflag:$0x1] =	stream.indirect_vreg.gather [hbm4b:s14+s24], $0x80, v4, vm0, $0xb8;
	[tilespmem:$0x18800] =	vst v63  }
0xa4: {  	s29 =	simm.s32 $0x17800  }
0xa5: {  	[tilespmem:s29], [sflag:$0x1] =	stream.indirect_vreg.gather [hbm4b:s15+s24], $0x80, v4, vm0, $0xb8;
	[tilespmem:$0x18800] =	vst v63  }
0xa6: {  	s31 =	simm.s32 $0x18000  }
0xa7: {  	[tilespmem:s31], [sflag:$0x1] =	stream.indirect_vreg.gather [hbm4b:s16+s24], $0x80, v4, vm0, $0xb8;
	[tilespmem:$0x18800] =	vst v63  }
0xa8: {  	_ =	swait.ge [sflag:s9], $0x8000  }
0xa9: {  	[sflag:s9] =	ssyncset.done $0x0  }
0xaa: {  	p0 =	por $0x1, $0x1;
	s0 =	simm.s32 $0x0;
	[sflag:s9] =	ssyncadd.s32 $0xFFFF8000  }
.LBB2_4:
0xab: {  	s29 =	sshll.u32 s0, $0xE  }
0xac: {  	s25 =	sshll.u32 s0, $0xB;
	s29 =	sand.u32 $0x3FFFC000, s29  }
0xad: {  	s0 =	sadd.s32 s25, s17;
	s31 =	sor.u32 $0x800, s29  }
0xae: {  	[hbm4b:s0+s8] =	stream.strided.scatter [tilespmem:s31], [sflag:$0x2], $0x400, s28, s8, $0x38;
	[tilespmem:$0x18800] =	vst v63  }
0xaf: {  	s26 =	sor.u32 $0xC00, s29;
	s1 =	sadd.s32 $0x10, s0  }
0xb0: {  	[hbm4b:s1+s8] =	stream.strided.scatter [tilespmem:s26], [sflag:$0x2], $0x400, s28, s8, $0x38;
	[tilespmem:$0x18800] =	vst v63  }
0xb1: {  	s25 =	sor.u32 $0x1000, s29;
	s26 =	sadd.s32 $0x20, s0  }
0xb2: {  	[hbm4b:s26+s8] =	stream.strided.scatter [tilespmem:s25], [sflag:$0x2], $0x400, s28, s8, $0x38;
	[tilespmem:$0x18800] =	vst v63  }
0xb3: {  	s25 =	sor.u32 $0x1400, s29;
	s26 =	sadd.s32 $0x30, s0  }
0xb4: {  	[hbm4b:s26+s8] =	stream.strided.scatter [tilespmem:s25], [sflag:$0x2], $0x400, s28, s8, $0x38;
	[tilespmem:$0x18800] =	vst v63  }
0xb5: {  	s25 =	sor.u32 $0x1800, s29;
	s26 =	sadd.s32 $0x40, s0  }
0xb6: {  	[hbm4b:s26+s8] =	stream.strided.scatter [tilespmem:s25], [sflag:$0x2], $0x400, s28, s8, $0x38;
	[tilespmem:$0x18800] =	vst v63  }
0xb7: {  	s25 =	sor.u32 $0x1C00, s29;
	s26 =	sadd.s32 $0x50, s0  }
0xb8: {  	[hbm4b:s26+s8] =	stream.strided.scatter [tilespmem:s25], [sflag:$0x2], $0x400, s28, s8, $0x38;
	[tilespmem:$0x18800] =	vst v63  }
0xb9: {  	s25 =	sor.u32 $0x2000, s29;
	s26 =	sadd.s32 $0x60, s0  }
0xba: {  	[hbm4b:s26+s8] =	stream.strided.scatter [tilespmem:s25], [sflag:$0x2], $0x400, s28, s8, $0x38;
	[tilespmem:$0x18800] =	vst v63  }
0xbb: {  	s25 =	sor.u32 $0x2400, s29;
	s26 =	sadd.s32 $0x70, s0  }
0xbc: {  	[hbm4b:s26+s8] =	stream.strided.scatter [tilespmem:s25], [sflag:$0x2], $0x400, s28, s8, $0x38;
	[tilespmem:$0x18800] =	vst v63  }
0xbd: {  	s25 =	sor.u32 $0x2800, s29;
	s26 =	sadd.s32 $0x80, s0  }
0xbe: {  	[hbm4b:s26+s8] =	stream.strided.scatter [tilespmem:s25], [sflag:$0x2], $0x400, s28, s8, $0x38;
	[tilespmem:$0x18800] =	vst v63  }
0xbf: {  	s25 =	sor.u32 $0x2C00, s29;
	s26 =	sadd.s32 $0x90, s0  }
0xc0: {  	[hbm4b:s26+s8] =	stream.strided.scatter [tilespmem:s25], [sflag:$0x2], $0x400, s28, s8, $0x38;
	[tilespmem:$0x18800] =	vst v63  }
0xc1: {  	s25 =	sor.u32 $0x3000, s29;
	s26 =	sadd.s32 $0xA0, s0  }
0xc2: {  	[hbm4b:s26+s8] =	stream.strided.scatter [tilespmem:s25], [sflag:$0x2], $0x400, s28, s8, $0x38;
	[tilespmem:$0x18800] =	vst v63  }
0xc3: {  	s25 =	sor.u32 $0x3400, s29;
	s26 =	sadd.s32 $0xB0, s0  }
0xc4: {  	[hbm4b:s26+s8] =	stream.strided.scatter [tilespmem:s25], [sflag:$0x2], $0x400, s28, s8, $0x38;
	[tilespmem:$0x18800] =	vst v63  }
0xc5: {  	s25 =	sor.u32 $0x3800, s29;
	s26 =	sadd.s32 $0xC0, s0  }
0xc6: {  	[hbm4b:s26+s8] =	stream.strided.scatter [tilespmem:s25], [sflag:$0x2], $0x400, s28, s8, $0x38;
	[tilespmem:$0x18800] =	vst v63  }
0xc7: {  	p1 =	por p0, p0;
	s25 =	sor.u32 $0x3C00, s29;
	s26 =	sadd.s32 $0xD0, s0  }
0xc8: {  	[hbm4b:s26+s8] =	stream.strided.scatter [tilespmem:s25], [sflag:$0x2], $0x400, s28, s8, $0x38;
	[tilespmem:$0x18800] =	vst v63  }
.Ltmp1:
0xc9: {  	s25 =	sadd.s32 $0x4000, s29;
	s26 =	sadd.s32 $0xE0, s0;
	(pc) =	sbr.rel @p1 .LBB2_4-.Ltmp1, $4  }
0xca: {  	[hbm4b:s26+s8] =	stream.strided.scatter [tilespmem:s25], [sflag:$0x2], $0x400, s28, s8, $0x38;
	[tilespmem:$0x18800] =	vst v63  }
0xcb: {  	s31 =	sadd.s32 $0x4400, s29;
	s0 =	sadd.s32 $0xF0, s0  }
0xcc: {  	[hbm4b:s0+s8] =	stream.strided.scatter [tilespmem:s31], [sflag:$0x2], $0x400, s28, s8, $0x38;
	[tilespmem:$0x18800] =	vst v63  }
0xcd: {  	p0 =	por $0x0, $0x0;
	s0 =	simm.s32 $0x1  }
.LBB2_5:
0xce: {  	s31 =	smul.u32 $0x30, s24;
	_ =	sdelay $0x1  }
0xcf: {  	s0 =	sadd.s32 s31, s18  }
0xd0: {  	_ =	swait.ge [sflag:s9], $0x8000;
	s0 =	sshll.u32 s0, $0x8  }
0xd1: {  	p0 =	por $0x1, $0x1;
	[sflag:s9] =	ssyncset.done $0x0;
	s0 =	sand.u32 $0x1FFFF000, s0  }
0xd2: {  	[sflag:s9] =	ssyncadd.s32 $0xFFFF8000;
	s29 =	sadd.s32 s2, s0;
	s0 =	simm.s32 $0x0  }
.LBB2_6:
0xd3: {  	s1 =	sshll.u32 s0, $0xE  }
0xd4: {  	s26 =	sshll.u32 s0, $0xB;
	s1 =	sand.u32 $0x3FFFC000, s1  }
0xd5: {  	s0 =	sadd.s32 s26, s29;
	s25 =	sadd.s32 $0x8800, s1  }
0xd6: {  	[hbm4b:s0+s8] =	stream.strided.scatter [tilespmem:s25], [sflag:$0x2], $0x400, s28, s8, $0x38;
	[tilespmem:$0x18800] =	vst v63  }
0xd7: {  	s26 =	sadd.s32 $0x10, s0;
	s25 =	sadd.s32 $0x8C00, s1  }
0xd8: {  	[hbm4b:s26+s8] =	stream.strided.scatter [tilespmem:s25], [sflag:$0x2], $0x400, s28, s8, $0x38;
	[tilespmem:$0x18800] =	vst v63  }
0xd9: {  	s25 =	sadd.s32 $0x9000, s1;
	s26 =	sadd.s32 $0x20, s0  }
0xda: {  	[hbm4b:s26+s8] =	stream.strided.scatter [tilespmem:s25], [sflag:$0x2], $0x400, s28, s8, $0x38;
	[tilespmem:$0x18800] =	vst v63  }
0xdb: {  	s25 =	sadd.s32 $0x9400, s1;
	s26 =	sadd.s32 $0x30, s0  }
0xdc: {  	[hbm4b:s26+s8] =	stream.strided.scatter [tilespmem:s25], [sflag:$0x2], $0x400, s28, s8, $0x38;
	[tilespmem:$0x18800] =	vst v63  }
0xdd: {  	s25 =	sadd.s32 $0x9800, s1;
	s26 =	sadd.s32 $0x40, s0  }
0xde: {  	[hbm4b:s26+s8] =	stream.strided.scatter [tilespmem:s25], [sflag:$0x2], $0x400, s28, s8, $0x38;
	[tilespmem:$0x18800] =	vst v63  }
0xdf: {  	s25 =	sadd.s32 $0x9C00, s1;
	s26 =	sadd.s32 $0x50, s0  }
0xe0: {  	[hbm4b:s26+s8] =	stream.strided.scatter [tilespmem:s25], [sflag:$0x2], $0x400, s28, s8, $0x38;
	[tilespmem:$0x18800] =	vst v63  }
0xe1: {  	s25 =	sadd.s32 $0xA000, s1;
	s26 =	sadd.s32 $0x60, s0  }
0xe2: {  	[hbm4b:s26+s8] =	stream.strided.scatter [tilespmem:s25], [sflag:$0x2], $0x400, s28, s8, $0x38;
	[tilespmem:$0x18800] =	vst v63  }
0xe3: {  	s25 =	sadd.s32 $0xA400, s1;
	s26 =	sadd.s32 $0x70, s0  }
0xe4: {  	[hbm4b:s26+s8] =	stream.strided.scatter [tilespmem:s25], [sflag:$0x2], $0x400, s28, s8, $0x38;
	[tilespmem:$0x18800] =	vst v63  }
0xe5: {  	s25 =	sadd.s32 $0xA800, s1;
	s26 =	sadd.s32 $0x80, s0  }
0xe6: {  	[hbm4b:s26+s8] =	stream.strided.scatter [tilespmem:s25], [sflag:$0x2], $0x400, s28, s8, $0x38;
	[tilespmem:$0x18800] =	vst v63  }
0xe7: {  	s25 =	sadd.s32 $0xAC00, s1;
	s26 =	sadd.s32 $0x90, s0  }
0xe8: {  	[hbm4b:s26+s8] =	stream.strided.scatter [tilespmem:s25], [sflag:$0x2], $0x400, s28, s8, $0x38;
	[tilespmem:$0x18800] =	vst v63  }
0xe9: {  	s25 =	sadd.s32 $0xB000, s1;
	s26 =	sadd.s32 $0xA0, s0  }
0xea: {  	[hbm4b:s26+s8] =	stream.strided.scatter [tilespmem:s25], [sflag:$0x2], $0x400, s28, s8, $0x38;
	[tilespmem:$0x18800] =	vst v63  }
0xeb: {  	s25 =	sadd.s32 $0xB400, s1;
	s26 =	sadd.s32 $0xB0, s0  }
0xec: {  	[hbm4b:s26+s8] =	stream.strided.scatter [tilespmem:s25], [sflag:$0x2], $0x400, s28, s8, $0x38;
	[tilespmem:$0x18800] =	vst v63  }
0xed: {  	s25 =	sadd.s32 $0xB800, s1;
	s26 =	sadd.s32 $0xC0, s0  }
0xee: {  	[hbm4b:s26+s8] =	stream.strided.scatter [tilespmem:s25], [sflag:$0x2], $0x400, s28, s8, $0x38;
	[tilespmem:$0x18800] =	vst v63  }
0xef: {  	p1 =	por p0, p0;
	s25 =	sadd.s32 $0xBC00, s1;
	s26 =	sadd.s32 $0xD0, s0  }
0xf0: {  	[hbm4b:s26+s8] =	stream.strided.scatter [tilespmem:s25], [sflag:$0x2], $0x400, s28, s8, $0x38;
	[tilespmem:$0x18800] =	vst v63  }
.Ltmp2:
0xf1: {  	s25 =	sadd.s32 $0xC000, s1;
	s26 =	sadd.s32 $0xE0, s0;
	(pc) =	sbr.rel @p1 .LBB2_6-.Ltmp2, $4  }
0xf2: {  	[hbm4b:s26+s8] =	stream.strided.scatter [tilespmem:s25], [sflag:$0x2], $0x400, s28, s8, $0x38;
	[tilespmem:$0x18800] =	vst v63  }
0xf3: {  	s1 =	sadd.s32 $0xC400, s1;
	s0 =	sadd.s32 $0xF0, s0  }
0xf4: {  	[hbm4b:s0+s8] =	stream.strided.scatter [tilespmem:s1], [sflag:$0x2], $0x400, s28, s8, $0x38;
	[tilespmem:$0x18800] =	vst v63  }
0xf5: {  	p0 =	por $0x0, $0x0;
	s0 =	simm.s32 $0x1  }
0xf6: {  	_ =	swait.ge [sflag:s30], $0x8000  }
0xf7: {  	[sflag:s30] =	ssyncset.done $0x0  }
0xf8: {  	[sflag:s30] =	ssyncadd.s32 $0xFFFF8000  }
0xf9: {  	v4 =	vld [tilespmem:s31+$0x630];
	_ =	sdelay $0x4  }
0xfa: {  	v5 =	vshll.u32 v4, $0x4  }
0xfb: {  	v4 =	vand.u32 $0x7, v4;
	v5 =	vand.u32 $0xFFFFFF80, v5  }
0xfc: {  	v4 =	vor.u32 v4, v5  }
0xfd: {  	v5 =	vperm.xlane v4, v1;
	_ =	sdelay $0x1  }
0xfe: {  	v5 =	vadd.s32 v2, v5;
	_ =	sdelay $0x3  }
0xff: {  	s0 =	simm.s32 $0x0  }
0x100: {  	[tilespmem:s28], [sflag:$0x1] =	stream.indirect_vreg.gather [hbm4b:s4+s0], $0x80, v5, vm0, $0xb8;
	[tilespmem:$0x18800] =	vst v63  }
0x101: {  	s1 =	simm.s32 $0x1000  }
0x102: {  	[tilespmem:s1], [sflag:$0x1] =	stream.indirect_vreg.gather [hbm4b:s10+s0], $0x80, v5, vm0, $0xb8;
	[tilespmem:$0x18800] =	vst v63  }
0x103: {  	s26 =	simm.s32 $0x1800  }
0x104: {  	[tilespmem:s26], [sflag:$0x1] =	stream.indirect_vreg.gather [hbm4b:s11+s0], $0x80, v5, vm0, $0xb8;
	[tilespmem:$0x18800] =	vst v63  }
0x105: {  	s25 =	simm.s32 $0x2000  }
0x106: {  	[tilespmem:s25], [sflag:$0x1] =	stream.indirect_vreg.gather [hbm4b:s12+s0], $0x80, v5, vm0, $0xb8;
	[tilespmem:$0x18800] =	vst v63  }
0x107: {  	s26 =	simm.s32 $0x2800  }
0x108: {  	[tilespmem:s26], [sflag:$0x1] =	stream.indirect_vreg.gather [hbm4b:s13+s0], $0x80, v5, vm0, $0xb8;
	[tilespmem:$0x18800] =	vst v63  }
0x109: {  	v4 =	vperm.xlane v4, v3;
	s25 =	simm.s32 $0x3000  }
0x10a: {  	[tilespmem:s25], [sflag:$0x1] =	stream.indirect_vreg.gather [hbm4b:s14+s0], $0x80, v5, vm0, $0xb8;
	[tilespmem:$0x18800] =	vst v63  }
0x10b: {  	v4 =	vadd.s32 v2, v4;
	s26 =	simm.s32 $0x3800  }
0x10c: {  	[tilespmem:s26], [sflag:$0x1] =	stream.indirect_vreg.gather [hbm4b:s15+s0], $0x80, v5, vm0, $0xb8;
	[tilespmem:$0x18800] =	vst v63  }
0x10d: {  	s25 =	simm.s32 $0x4000  }
0x10e: {  	[tilespmem:s25], [sflag:$0x1] =	stream.indirect_vreg.gather [hbm4b:s16+s0], $0x80, v5, vm0, $0xb8;
	[tilespmem:$0x18800] =	vst v63  }
0x10f: {  	s26 =	simm.s32 $0x4800  }
0x110: {  	[tilespmem:s26], [sflag:$0x1] =	stream.indirect_vreg.gather [hbm4b:s4+s0], $0x80, v4, vm0, $0xb8;
	[tilespmem:$0x18800] =	vst v63  }
0x111: {  	s25 =	simm.s32 $0x5000  }
0x112: {  	[tilespmem:s25], [sflag:$0x1] =	stream.indirect_vreg.gather [hbm4b:s10+s0], $0x80, v4, vm0, $0xb8;
	[tilespmem:$0x18800] =	vst v63  }
0x113: {  	s26 =	simm.s32 $0x5800  }
0x114: {  	[tilespmem:s26], [sflag:$0x1] =	stream.indirect_vreg.gather [hbm4b:s11+s0], $0x80, v4, vm0, $0xb8;
	[tilespmem:$0x18800] =	vst v63  }
0x115: {  	s25 =	simm.s32 $0x6000  }
0x116: {  	[tilespmem:s25], [sflag:$0x1] =	stream.indirect_vreg.gather [hbm4b:s12+s0], $0x80, v4, vm0, $0xb8;
	[tilespmem:$0x18800] =	vst v63  }
0x117: {  	s26 =	simm.s32 $0x6800  }
0x118: {  	[tilespmem:s26], [sflag:$0x1] =	stream.indirect_vreg.gather [hbm4b:s13+s0], $0x80, v4, vm0, $0xb8;
	[tilespmem:$0x18800] =	vst v63  }
0x119: {  	s25 =	simm.s32 $0x7000  }
0x11a: {  	[tilespmem:s25], [sflag:$0x1] =	stream.indirect_vreg.gather [hbm4b:s14+s0], $0x80, v4, vm0, $0xb8;
	[tilespmem:$0x18800] =	vst v63  }
0x11b: {  	s26 =	simm.s32 $0x7800  }
0x11c: {  	[tilespmem:s26], [sflag:$0x1] =	stream.indirect_vreg.gather [hbm4b:s15+s0], $0x80, v4, vm0, $0xb8;
	[tilespmem:$0x18800] =	vst v63  }
0x11d: {  	s25 =	simm.s32 $0x8000;
	s26 =	sadd.s32 s31, s19  }
0x11e: {  	[tilespmem:s25], [sflag:$0x1] =	stream.indirect_vreg.gather [hbm4b:s16+s0], $0x80, v4, vm0, $0xb8;
	[tilespmem:$0x18800] =	vst v63  }
0x11f: {  	s1 =	sshll.u32 s26, $0x8;
	_ =	swait.ge [sflag:s9], $0x8000  }
0x120: {  	s29 =	sadd.s32 $0x30, s31;
	s1 =	sand.u32 $0x1FFFF000, s1;
	[sflag:s9] =	ssyncset.done $0x0  }
0x121: {  	p0 =	por $0x1, $0x1;
	s31 =	sadd.s32 s2, s1;
	[sflag:s9] =	ssyncadd.s32 $0xFFFF8000  }
.LBB2_8:
0x122: {  	s1 =	sshll.u32 s0, $0xE  }
0x123: {  	s26 =	sshll.u32 s0, $0xB;
	s1 =	sand.u32 $0x3FFFC000, s1  }
0x124: {  	s0 =	sadd.s32 s26, s31;
	s25 =	sadd.s32 $0x10800, s1  }
0x125: {  	[hbm4b:s0+s8] =	stream.strided.scatter [tilespmem:s25], [sflag:$0x2], $0x400, s28, s8, $0x38;
	[tilespmem:$0x18800] =	vst v63  }
0x126: {  	s26 =	sadd.s32 $0x10, s0;
	s25 =	sadd.s32 $0x10C00, s1  }
0x127: {  	[hbm4b:s26+s8] =	stream.strided.scatter [tilespmem:s25], [sflag:$0x2], $0x400, s28, s8, $0x38;
	[tilespmem:$0x18800] =	vst v63  }
0x128: {  	s25 =	sadd.s32 $0x11000, s1;
	s26 =	sadd.s32 $0x20, s0  }
0x129: {  	[hbm4b:s26+s8] =	stream.strided.scatter [tilespmem:s25], [sflag:$0x2], $0x400, s28, s8, $0x38;
	[tilespmem:$0x18800] =	vst v63  }
0x12a: {  	s25 =	sadd.s32 $0x11400, s1;
	s26 =	sadd.s32 $0x30, s0  }
0x12b: {  	[hbm4b:s26+s8] =	stream.strided.scatter [tilespmem:s25], [sflag:$0x2], $0x400, s28, s8, $0x38;
	[tilespmem:$0x18800] =	vst v63  }
0x12c: {  	s25 =	sadd.s32 $0x11800, s1;
	s26 =	sadd.s32 $0x40, s0  }
0x12d: {  	[hbm4b:s26+s8] =	stream.strided.scatter [tilespmem:s25], [sflag:$0x2], $0x400, s28, s8, $0x38;
	[tilespmem:$0x18800] =	vst v63  }
0x12e: {  	s25 =	sadd.s32 $0x11C00, s1;
	s26 =	sadd.s32 $0x50, s0  }
0x12f: {  	[hbm4b:s26+s8] =	stream.strided.scatter [tilespmem:s25], [sflag:$0x2], $0x400, s28, s8, $0x38;
	[tilespmem:$0x18800] =	vst v63  }
0x130: {  	s25 =	sadd.s32 $0x12000, s1;
	s26 =	sadd.s32 $0x60, s0  }
0x131: {  	[hbm4b:s26+s8] =	stream.strided.scatter [tilespmem:s25], [sflag:$0x2], $0x400, s28, s8, $0x38;
	[tilespmem:$0x18800] =	vst v63  }
0x132: {  	s25 =	sadd.s32 $0x12400, s1;
	s26 =	sadd.s32 $0x70, s0  }
0x133: {  	[hbm4b:s26+s8] =	stream.strided.scatter [tilespmem:s25], [sflag:$0x2], $0x400, s28, s8, $0x38;
	[tilespmem:$0x18800] =	vst v63  }
0x134: {  	s25 =	sadd.s32 $0x12800, s1;
	s26 =	sadd.s32 $0x80, s0  }
0x135: {  	[hbm4b:s26+s8] =	stream.strided.scatter [tilespmem:s25], [sflag:$0x2], $0x400, s28, s8, $0x38;
	[tilespmem:$0x18800] =	vst v63  }
0x136: {  	s25 =	sadd.s32 $0x12C00, s1;
	s26 =	sadd.s32 $0x90, s0  }
0x137: {  	[hbm4b:s26+s8] =	stream.strided.scatter [tilespmem:s25], [sflag:$0x2], $0x400, s28, s8, $0x38;
	[tilespmem:$0x18800] =	vst v63  }
0x138: {  	s25 =	sadd.s32 $0x13000, s1;
	s26 =	sadd.s32 $0xA0, s0  }
0x139: {  	[hbm4b:s26+s8] =	stream.strided.scatter [tilespmem:s25], [sflag:$0x2], $0x400, s28, s8, $0x38;
	[tilespmem:$0x18800] =	vst v63  }
0x13a: {  	s25 =	sadd.s32 $0x13400, s1;
	s26 =	sadd.s32 $0xB0, s0  }
0x13b: {  	[hbm4b:s26+s8] =	stream.strided.scatter [tilespmem:s25], [sflag:$0x2], $0x400, s28, s8, $0x38;
	[tilespmem:$0x18800] =	vst v63  }
0x13c: {  	s25 =	sadd.s32 $0x13800, s1;
	s26 =	sadd.s32 $0xC0, s0  }
0x13d: {  	[hbm4b:s26+s8] =	stream.strided.scatter [tilespmem:s25], [sflag:$0x2], $0x400, s28, s8, $0x38;
	[tilespmem:$0x18800] =	vst v63  }
0x13e: {  	p1 =	por p0, p0;
	s25 =	sadd.s32 $0x13C00, s1;
	s26 =	sadd.s32 $0xD0, s0  }
0x13f: {  	[hbm4b:s26+s8] =	stream.strided.scatter [tilespmem:s25], [sflag:$0x2], $0x400, s28, s8, $0x38;
	[tilespmem:$0x18800] =	vst v63  }
.Ltmp3:
0x140: {  	s25 =	sadd.s32 $0x14000, s1;
	s26 =	sadd.s32 $0xE0, s0;
	(pc) =	sbr.rel @p1 .LBB2_8-.Ltmp3, $4  }
0x141: {  	[hbm4b:s26+s8] =	stream.strided.scatter [tilespmem:s25], [sflag:$0x2], $0x400, s28, s8, $0x38;
	[tilespmem:$0x18800] =	vst v63  }
0x142: {  	s1 =	sadd.s32 $0x14400, s1;
	s0 =	sadd.s32 $0xF0, s0  }
0x143: {  	[hbm4b:s0+s8] =	stream.strided.scatter [tilespmem:s1], [sflag:$0x2], $0x400, s28, s8, $0x38;
	[tilespmem:$0x18800] =	vst v63  }
0x144: {  	p0 =	por $0x0, $0x0;
	s0 =	simm.s32 $0x1  }
0x145: {  	_ =	swait.ge [sflag:s30], $0x8000;
	s0 =	smul.u32 $0xC0, s24  }
0x146: {  	[sflag:s30] =	ssyncset.done $0x0  }
0x147: {  	[sflag:s30] =	ssyncadd.s32 $0xFFFF8000;
	s31 =	sshra.s32 s0, $0x2  }
0x148: {  	v4 =	vld [tilespmem:s31+$0x640];
	_ =	sdelay $0x4  }
0x149: {  	v5 =	vshll.u32 v4, $0x4  }
0x14a: {  	v4 =	vand.u32 $0x7, v4;
	v5 =	vand.u32 $0xFFFFFF80, v5  }
0x14b: {  	v4 =	vor.u32 v4, v5  }
0x14c: {  	v5 =	vperm.xlane v4, v1;
	_ =	sdelay $0x1  }
0x14d: {  	v5 =	vadd.s32 v2, v5;
	_ =	sdelay $0x3  }
0x14e: {  	s1 =	simm.s32 $0x8800;
	s0 =	simm.s32 $0x0  }
0x14f: {  	[tilespmem:s1], [sflag:$0x1] =	stream.indirect_vreg.gather [hbm4b:s4+s0], $0x80, v5, vm0, $0xb8;
	[tilespmem:$0x18800] =	vst v63  }
0x150: {  	s25 =	simm.s32 $0x9000  }
0x151: {  	[tilespmem:s25], [sflag:$0x1] =	stream.indirect_vreg.gather [hbm4b:s10+s0], $0x80, v5, vm0, $0xb8;
	[tilespmem:$0x18800] =	vst v63  }
0x152: {  	s26 =	simm.s32 $0x9800  }
0x153: {  	[tilespmem:s26], [sflag:$0x1] =	stream.indirect_vreg.gather [hbm4b:s11+s0], $0x80, v5, vm0, $0xb8;
	[tilespmem:$0x18800] =	vst v63  }
0x154: {  	s25 =	simm.s32 $0xA000  }
0x155: {  	[tilespmem:s25], [sflag:$0x1] =	stream.indirect_vreg.gather [hbm4b:s12+s0], $0x80, v5, vm0, $0xb8;
	[tilespmem:$0x18800] =	vst v63  }
0x156: {  	s26 =	simm.s32 $0xA800  }
0x157: {  	[tilespmem:s26], [sflag:$0x1] =	stream.indirect_vreg.gather [hbm4b:s13+s0], $0x80, v5, vm0, $0xb8;
	[tilespmem:$0x18800] =	vst v63  }
0x158: {  	v4 =	vperm.xlane v4, v3;
	s25 =	simm.s32 $0xB000  }
0x159: {  	[tilespmem:s25], [sflag:$0x1] =	stream.indirect_vreg.gather [hbm4b:s14+s0], $0x80, v5, vm0, $0xb8;
	[tilespmem:$0x18800] =	vst v63  }
0x15a: {  	v4 =	vadd.s32 v2, v4;
	s26 =	simm.s32 $0xB800  }
0x15b: {  	[tilespmem:s26], [sflag:$0x1] =	stream.indirect_vreg.gather [hbm4b:s15+s0], $0x80, v5, vm0, $0xb8;
	[tilespmem:$0x18800] =	vst v63  }
0x15c: {  	s25 =	simm.s32 $0xC000  }
0x15d: {  	[tilespmem:s25], [sflag:$0x1] =	stream.indirect_vreg.gather [hbm4b:s16+s0], $0x80, v5, vm0, $0xb8;
	[tilespmem:$0x18800] =	vst v63  }
0x15e: {  	s26 =	simm.s32 $0xC800  }
0x15f: {  	[tilespmem:s26], [sflag:$0x1] =	stream.indirect_vreg.gather [hbm4b:s4+s0], $0x80, v4, vm0, $0xb8;
	[tilespmem:$0x18800] =	vst v63  }
0x160: {  	s25 =	simm.s32 $0xD000  }
0x161: {  	[tilespmem:s25], [sflag:$0x1] =	stream.indirect_vreg.gather [hbm4b:s10+s0], $0x80, v4, vm0, $0xb8;
	[tilespmem:$0x18800] =	vst v63  }
0x162: {  	s26 =	simm.s32 $0xD800  }
0x163: {  	[tilespmem:s26], [sflag:$0x1] =	stream.indirect_vreg.gather [hbm4b:s11+s0], $0x80, v4, vm0, $0xb8;
	[tilespmem:$0x18800] =	vst v63  }
0x164: {  	s25 =	simm.s32 $0xE000  }
0x165: {  	[tilespmem:s25], [sflag:$0x1] =	stream.indirect_vreg.gather [hbm4b:s12+s0], $0x80, v4, vm0, $0xb8;
	[tilespmem:$0x18800] =	vst v63  }
0x166: {  	s26 =	simm.s32 $0xE800  }
0x167: {  	[tilespmem:s26], [sflag:$0x1] =	stream.indirect_vreg.gather [hbm4b:s13+s0], $0x80, v4, vm0, $0xb8;
	[tilespmem:$0x18800] =	vst v63  }
0x168: {  	s25 =	simm.s32 $0xF000  }
0x169: {  	[tilespmem:s25], [sflag:$0x1] =	stream.indirect_vreg.gather [hbm4b:s14+s0], $0x80, v4, vm0, $0xb8;
	[tilespmem:$0x18800] =	vst v63  }
0x16a: {  	_ = 	snop  }
0x16b: {  	[tilespmem:s6], [sflag:$0x1] =	stream.indirect_vreg.gather [hbm4b:s15+s0], $0x80, v4, vm0, $0xb8;
	[tilespmem:$0x18800] =	vst v63  }
0x16c: {  	s26 =	sadd.s32 s5, s29  }
0x16d: {  	[tilespmem:s7], [sflag:$0x1] =	stream.indirect_vreg.gather [hbm4b:s16+s0], $0x80, v4, vm0, $0xb8;
	[tilespmem:$0x18800] =	vst v63  }
0x16e: {  	s1 =	sshll.u32 s26, $0x8;
	_ =	swait.ge [sflag:s9], $0x8000  }
0x16f: {  	s1 =	sand.u32 $0x1FFFF000, s1;
	[sflag:s9] =	ssyncset.done $0x0  }
0x170: {  	p0 =	por $0x1, $0x1;
	s29 =	sadd.s32 s2, s1;
	[sflag:s9] =	ssyncadd.s32 $0xFFFF8000  }
.LBB2_10:
0x171: {  	s1 =	sshll.u32 s0, $0xE  }
0x172: {  	s26 =	sshll.u32 s0, $0xB;
	s1 =	sand.u32 $0x3FFFC000, s1  }
0x173: {  	s0 =	sadd.s32 s26, s29;
	s25 =	sor.u32 $0x800, s1  }
0x174: {  	[hbm4b:s0+s8] =	stream.strided.scatter [tilespmem:s25], [sflag:$0x2], $0x400, s28, s8, $0x38;
	[tilespmem:$0x18800] =	vst v63  }
0x175: {  	s26 =	sadd.s32 $0x10, s0;
	s25 =	sor.u32 $0xC00, s1  }
0x176: {  	[hbm4b:s26+s8] =	stream.strided.scatter [tilespmem:s25], [sflag:$0x2], $0x400, s28, s8, $0x38;
	[tilespmem:$0x18800] =	vst v63  }
0x177: {  	s25 =	sor.u32 $0x1000, s1;
	s26 =	sadd.s32 $0x20, s0  }
0x178: {  	[hbm4b:s26+s8] =	stream.strided.scatter [tilespmem:s25], [sflag:$0x2], $0x400, s28, s8, $0x38;
	[tilespmem:$0x18800] =	vst v63  }
0x179: {  	s25 =	sor.u32 $0x1400, s1;
	s26 =	sadd.s32 $0x30, s0  }
0x17a: {  	[hbm4b:s26+s8] =	stream.strided.scatter [tilespmem:s25], [sflag:$0x2], $0x400, s28, s8, $0x38;
	[tilespmem:$0x18800] =	vst v63  }
0x17b: {  	s25 =	sor.u32 $0x1800, s1;
	s26 =	sadd.s32 $0x40, s0  }
0x17c: {  	[hbm4b:s26+s8] =	stream.strided.scatter [tilespmem:s25], [sflag:$0x2], $0x400, s28, s8, $0x38;
	[tilespmem:$0x18800] =	vst v63  }
0x17d: {  	s25 =	sor.u32 $0x1C00, s1;
	s26 =	sadd.s32 $0x50, s0  }
0x17e: {  	[hbm4b:s26+s8] =	stream.strided.scatter [tilespmem:s25], [sflag:$0x2], $0x400, s28, s8, $0x38;
	[tilespmem:$0x18800] =	vst v63  }
0x17f: {  	s25 =	sor.u32 $0x2000, s1;
	s26 =	sadd.s32 $0x60, s0  }
0x180: {  	[hbm4b:s26+s8] =	stream.strided.scatter [tilespmem:s25], [sflag:$0x2], $0x400, s28, s8, $0x38;
	[tilespmem:$0x18800] =	vst v63  }
0x181: {  	s25 =	sor.u32 $0x2400, s1;
	s26 =	sadd.s32 $0x70, s0  }
0x182: {  	[hbm4b:s26+s8] =	stream.strided.scatter [tilespmem:s25], [sflag:$0x2], $0x400, s28, s8, $0x38;
	[tilespmem:$0x18800] =	vst v63  }
0x183: {  	s25 =	sor.u32 $0x2800, s1;
	s26 =	sadd.s32 $0x80, s0  }
0x184: {  	[hbm4b:s26+s8] =	stream.strided.scatter [tilespmem:s25], [sflag:$0x2], $0x400, s28, s8, $0x38;
	[tilespmem:$0x18800] =	vst v63  }
0x185: {  	s25 =	sor.u32 $0x2C00, s1;
	s26 =	sadd.s32 $0x90, s0  }
0x186: {  	[hbm4b:s26+s8] =	stream.strided.scatter [tilespmem:s25], [sflag:$0x2], $0x400, s28, s8, $0x38;
	[tilespmem:$0x18800] =	vst v63  }
0x187: {  	s25 =	sor.u32 $0x3000, s1;
	s26 =	sadd.s32 $0xA0, s0  }
0x188: {  	[hbm4b:s26+s8] =	stream.strided.scatter [tilespmem:s25], [sflag:$0x2], $0x400, s28, s8, $0x38;
	[tilespmem:$0x18800] =	vst v63  }
0x189: {  	s25 =	sor.u32 $0x3400, s1;
	s26 =	sadd.s32 $0xB0, s0  }
0x18a: {  	[hbm4b:s26+s8] =	stream.strided.scatter [tilespmem:s25], [sflag:$0x2], $0x400, s28, s8, $0x38;
	[tilespmem:$0x18800] =	vst v63  }
0x18b: {  	s25 =	sor.u32 $0x3800, s1;
	s26 =	sadd.s32 $0xC0, s0  }
0x18c: {  	[hbm4b:s26+s8] =	stream.strided.scatter [tilespmem:s25], [sflag:$0x2], $0x400, s28, s8, $0x38;
	[tilespmem:$0x18800] =	vst v63  }
0x18d: {  	p1 =	por p0, p0;
	s25 =	sor.u32 $0x3C00, s1;
	s26 =	sadd.s32 $0xD0, s0  }
0x18e: {  	[hbm4b:s26+s8] =	stream.strided.scatter [tilespmem:s25], [sflag:$0x2], $0x400, s28, s8, $0x38;
	[tilespmem:$0x18800] =	vst v63  }
.Ltmp4:
0x18f: {  	s25 =	sadd.s32 $0x4000, s1;
	s26 =	sadd.s32 $0xE0, s0;
	(pc) =	sbr.rel @p1 .LBB2_10-.Ltmp4, $4  }
0x190: {  	[hbm4b:s26+s8] =	stream.strided.scatter [tilespmem:s25], [sflag:$0x2], $0x400, s28, s8, $0x38;
	[tilespmem:$0x18800] =	vst v63  }
0x191: {  	s1 =	sadd.s32 $0x4400, s1;
	s0 =	sadd.s32 $0xF0, s0  }
0x192: {  	[hbm4b:s0+s8] =	stream.strided.scatter [tilespmem:s1], [sflag:$0x2], $0x400, s28, s8, $0x38;
	[tilespmem:$0x18800] =	vst v63  }
0x193: {  	p0 =	por $0x0, $0x0;
	s0 =	simm.s32 $0x1  }
0x194: {  	_ =	swait.ge [sflag:s30], $0x8000  }
0x195: {  	[sflag:s30] =	ssyncset.done $0x0  }
0x196: {  	[sflag:s30] =	ssyncadd.s32 $0xFFFF8000  }
0x197: {  	v4 =	vld [tilespmem:s31+$0x650];
	_ =	sdelay $0x4  }
0x198: {  	v5 =	vshll.u32 v4, $0x4  }
0x199: {  	v4 =	vand.u32 $0x7, v4;
	v5 =	vand.u32 $0xFFFFFF80, v5  }
0x19a: {  	v4 =	vor.u32 v4, v5  }
0x19b: {  	v5 =	vperm.xlane v4, v1;
	_ =	sdelay $0x1  }
0x19c: {  	v5 =	vadd.s32 v2, v5;
	_ =	sdelay $0x3  }
0x19d: {  	s0 =	simm.s32 $0x10800  }
0x19e: {  	[tilespmem:s0], [sflag:$0x1] =	stream.indirect_vreg.gather [hbm4b:s4+s3], $0x80, v5, vm0, $0xb8;
	[tilespmem:$0x18800] =	vst v63  }
0x19f: {  	s1 =	simm.s32 $0x11000  }
0x1a0: {  	[tilespmem:s1], [sflag:$0x1] =	stream.indirect_vreg.gather [hbm4b:s10+s3], $0x80, v5, vm0, $0xb8;
	[tilespmem:$0x18800] =	vst v63  }
0x1a1: {  	s25 =	simm.s32 $0x11800  }
0x1a2: {  	[tilespmem:s25], [sflag:$0x1] =	stream.indirect_vreg.gather [hbm4b:s11+s3], $0x80, v5, vm0, $0xb8;
	[tilespmem:$0x18800] =	vst v63  }
0x1a3: {  	s26 =	simm.s32 $0x12000  }
0x1a4: {  	[tilespmem:s26], [sflag:$0x1] =	stream.indirect_vreg.gather [hbm4b:s12+s3], $0x80, v5, vm0, $0xb8;
	[tilespmem:$0x18800] =	vst v63  }
0x1a5: {  	s29 =	simm.s32 $0x12800  }
0x1a6: {  	[tilespmem:s29], [sflag:$0x1] =	stream.indirect_vreg.gather [hbm4b:s13+s3], $0x80, v5, vm0, $0xb8;
	[tilespmem:$0x18800] =	vst v63  }
0x1a7: {  	s31 =	simm.s32 $0x13000;
	v4 =	vperm.xlane v4, v3  }
0x1a8: {  	[tilespmem:s31], [sflag:$0x1] =	stream.indirect_vreg.gather [hbm4b:s14+s3], $0x80, v5, vm0, $0xb8;
	[tilespmem:$0x18800] =	vst v63  }
0x1a9: {  	v4 =	vadd.s32 v2, v4;
	s1 =	simm.s32 $0x13800  }
0x1aa: {  	[tilespmem:s1], [sflag:$0x1] =	stream.indirect_vreg.gather [hbm4b:s15+s3], $0x80, v5, vm0, $0xb8;
	[tilespmem:$0x18800] =	vst v63  }
0x1ab: {  	s25 =	simm.s32 $0x14000  }
0x1ac: {  	[tilespmem:s25], [sflag:$0x1] =	stream.indirect_vreg.gather [hbm4b:s16+s3], $0x80, v5, vm0, $0xb8;
	[tilespmem:$0x18800] =	vst v63  }
0x1ad: {  	s26 =	simm.s32 $0x14800  }
0x1ae: {  	[tilespmem:s26], [sflag:$0x1] =	stream.indirect_vreg.gather [hbm4b:s4+s3], $0x80, v4, vm0, $0xb8;
	[tilespmem:$0x18800] =	vst v63  }
0x1af: {  	s29 =	simm.s32 $0x15000  }
0x1b0: {  	[tilespmem:s29], [sflag:$0x1] =	stream.indirect_vreg.gather [hbm4b:s10+s3], $0x80, v4, vm0, $0xb8;
	[tilespmem:$0x18800] =	vst v63  }
0x1b1: {  	s31 =	simm.s32 $0x15800  }
0x1b2: {  	[tilespmem:s31], [sflag:$0x1] =	stream.indirect_vreg.gather [hbm4b:s11+s3], $0x80, v4, vm0, $0xb8;
	[tilespmem:$0x18800] =	vst v63  }
0x1b3: {  	s1 =	simm.s32 $0x16000  }
0x1b4: {  	[tilespmem:s1], [sflag:$0x1] =	stream.indirect_vreg.gather [hbm4b:s12+s3], $0x80, v4, vm0, $0xb8;
	[tilespmem:$0x18800] =	vst v63  }
0x1b5: {  	s24 =	sadd.s32 $0x1, s24;
	s25 =	simm.s32 $0x16800  }
0x1b6: {  	[tilespmem:s25], [sflag:$0x1] =	stream.indirect_vreg.gather [hbm4b:s13+s3], $0x80, v4, vm0, $0xb8;
	[tilespmem:$0x18800] =	vst v63  }
0x1b7: {  	p0 =	sne.s32 s24, $0x9;
	s26 =	simm.s32 $0x17000  }
0x1b8: {  	[tilespmem:s26], [sflag:$0x1] =	stream.indirect_vreg.gather [hbm4b:s14+s3], $0x80, v4, vm0, $0xb8;
	[tilespmem:$0x18800] =	vst v63  }
.Ltmp5:
0x1b9: {  	_ = 	snop;
	(pc) =	sbr.rel @p0 .LBB2_5-.Ltmp5, $4  }
0x1ba: {  	s29 =	simm.s32 $0x17800  }
0x1bb: {  	[tilespmem:s29], [sflag:$0x1] =	stream.indirect_vreg.gather [hbm4b:s15+s3], $0x80, v4, vm0, $0xb8;
	[tilespmem:$0x18800] =	vst v63  }
0x1bc: {  	s31 =	simm.s32 $0x18000  }
0x1bd: {  	[tilespmem:s31], [sflag:$0x1] =	stream.indirect_vreg.gather [hbm4b:s16+s3], $0x80, v4, vm0, $0xb8;
	[tilespmem:$0x18800] =	vst v63  }
0x1be: {  	_ =	swait.ge [sflag:s9], $0x8000  }
0x1bf: {  	[sflag:s9] =	ssyncset.done $0x0  }
0x1c0: {  	s0 =	simm.s32 $0x0;
	p0 =	por $0x1, $0x1;
	[sflag:s9] =	ssyncadd.s32 $0xFFFF8000  }
.LBB2_13:
0x1c1: {  	s1 =	sshll.u32 s0, $0xE  }
0x1c2: {  	s25 =	sshll.u32 s0, $0xB;
	s1 =	sand.u32 $0x3FFFC000, s1  }
0x1c3: {  	s0 =	sadd.s32 s25, s20;
	s24 =	sadd.s32 $0x8800, s1  }
0x1c4: {  	[hbm4b:s0+s8] =	stream.strided.scatter [tilespmem:s24], [sflag:$0x2], $0x400, s28, s8, $0x38;
	[tilespmem:$0x18800] =	vst v63  }
0x1c5: {  	s26 =	sadd.s32 $0x8C00, s1;
	s25 =	sadd.s32 $0x10, s0  }
0x1c6: {  	[hbm4b:s25+s8] =	stream.strided.scatter [tilespmem:s26], [sflag:$0x2], $0x400, s28, s8, $0x38;
	[tilespmem:$0x18800] =	vst v63  }
0x1c7: {  	s29 =	sadd.s32 $0x9000, s1;
	s31 =	sadd.s32 $0x20, s0  }
0x1c8: {  	[hbm4b:s31+s8] =	stream.strided.scatter [tilespmem:s29], [sflag:$0x2], $0x400, s28, s8, $0x38;
	[tilespmem:$0x18800] =	vst v63  }
0x1c9: {  	s25 =	sadd.s32 $0x9400, s1;
	s26 =	sadd.s32 $0x30, s0  }
0x1ca: {  	[hbm4b:s26+s8] =	stream.strided.scatter [tilespmem:s25], [sflag:$0x2], $0x400, s28, s8, $0x38;
	[tilespmem:$0x18800] =	vst v63  }
0x1cb: {  	s29 =	sadd.s32 $0x9800, s1;
	s31 =	sadd.s32 $0x40, s0  }
0x1cc: {  	[hbm4b:s31+s8] =	stream.strided.scatter [tilespmem:s29], [sflag:$0x2], $0x400, s28, s8, $0x38;
	[tilespmem:$0x18800] =	vst v63  }
0x1cd: {  	s25 =	sadd.s32 $0x9C00, s1;
	s26 =	sadd.s32 $0x50, s0  }
0x1ce: {  	[hbm4b:s26+s8] =	stream.strided.scatter [tilespmem:s25], [sflag:$0x2], $0x400, s28, s8, $0x38;
	[tilespmem:$0x18800] =	vst v63  }
0x1cf: {  	s29 =	sadd.s32 $0xA000, s1;
	s31 =	sadd.s32 $0x60, s0  }
0x1d0: {  	[hbm4b:s31+s8] =	stream.strided.scatter [tilespmem:s29], [sflag:$0x2], $0x400, s28, s8, $0x38;
	[tilespmem:$0x18800] =	vst v63  }
0x1d1: {  	s25 =	sadd.s32 $0xA400, s1;
	s26 =	sadd.s32 $0x70, s0  }
0x1d2: {  	[hbm4b:s26+s8] =	stream.strided.scatter [tilespmem:s25], [sflag:$0x2], $0x400, s28, s8, $0x38;
	[tilespmem:$0x18800] =	vst v63  }
0x1d3: {  	s29 =	sadd.s32 $0xA800, s1;
	s31 =	sadd.s32 $0x80, s0  }
0x1d4: {  	[hbm4b:s31+s8] =	stream.strided.scatter [tilespmem:s29], [sflag:$0x2], $0x400, s28, s8, $0x38;
	[tilespmem:$0x18800] =	vst v63  }
0x1d5: {  	s25 =	sadd.s32 $0xAC00, s1;
	s26 =	sadd.s32 $0x90, s0  }
0x1d6: {  	[hbm4b:s26+s8] =	stream.strided.scatter [tilespmem:s25], [sflag:$0x2], $0x400, s28, s8, $0x38;
	[tilespmem:$0x18800] =	vst v63  }
0x1d7: {  	s29 =	sadd.s32 $0xB000, s1;
	s31 =	sadd.s32 $0xA0, s0  }
0x1d8: {  	[hbm4b:s31+s8] =	stream.strided.scatter [tilespmem:s29], [sflag:$0x2], $0x400, s28, s8, $0x38;
	[tilespmem:$0x18800] =	vst v63  }
0x1d9: {  	s25 =	sadd.s32 $0xB400, s1;
	s26 =	sadd.s32 $0xB0, s0  }
0x1da: {  	[hbm4b:s26+s8] =	stream.strided.scatter [tilespmem:s25], [sflag:$0x2], $0x400, s28, s8, $0x38;
	[tilespmem:$0x18800] =	vst v63  }
0x1db: {  	s29 =	sadd.s32 $0xB800, s1;
	s31 =	sadd.s32 $0xC0, s0  }
0x1dc: {  	[hbm4b:s31+s8] =	stream.strided.scatter [tilespmem:s29], [sflag:$0x2], $0x400, s28, s8, $0x38;
	[tilespmem:$0x18800] =	vst v63  }
0x1dd: {  	p1 =	por p0, p0;
	s25 =	sadd.s32 $0xBC00, s1;
	s26 =	sadd.s32 $0xD0, s0  }
0x1de: {  	[hbm4b:s26+s8] =	stream.strided.scatter [tilespmem:s25], [sflag:$0x2], $0x400, s28, s8, $0x38;
	[tilespmem:$0x18800] =	vst v63  }
.Ltmp6:
0x1df: {  	s29 =	sadd.s32 $0xC000, s1;
	s31 =	sadd.s32 $0xE0, s0;
	(pc) =	sbr.rel @p1 .LBB2_13-.Ltmp6, $4  }
0x1e0: {  	[hbm4b:s31+s8] =	stream.strided.scatter [tilespmem:s29], [sflag:$0x2], $0x400, s28, s8, $0x38;
	[tilespmem:$0x18800] =	vst v63  }
0x1e1: {  	s1 =	sadd.s32 $0xC400, s1;
	s0 =	sadd.s32 $0xF0, s0  }
0x1e2: {  	[hbm4b:s0+s8] =	stream.strided.scatter [tilespmem:s1], [sflag:$0x2], $0x400, s28, s8, $0x38;
	[tilespmem:$0x18800] =	vst v63  }
0x1e3: {  	p0 =	por $0x0, $0x0;
	s0 =	simm.s32 $0x1  }
0x1e4: {  	_ =	swait.ge [sflag:s30], $0x8000  }
0x1e5: {  	[sflag:s30] =	ssyncset.done $0x0  }
0x1e6: {  	[sflag:s30] =	ssyncadd.s32 $0xFFFF8000  }
0x1e7: {  	v4 =	vld [tilespmem:$0x7E0];
	_ =	sdelay $0x4  }
0x1e8: {  	v5 =	vshll.u32 v4, $0x4  }
0x1e9: {  	v4 =	vand.u32 $0x7, v4;
	v5 =	vand.u32 $0xFFFFFF80, v5  }
0x1ea: {  	v4 =	vor.u32 v4, v5  }
0x1eb: {  	v5 =	vperm.xlane v4, v1;
	_ =	sdelay $0x1  }
0x1ec: {  	v5 =	vadd.s32 v2, v5;
	_ =	sdelay $0x3  }
0x1ed: {  	s0 =	simm.s32 $0x0  }
0x1ee: {  	[tilespmem:s28], [sflag:$0x1] =	stream.indirect_vreg.gather [hbm4b:s4+s0], $0x80, v5, vm0, $0xb8;
	[tilespmem:$0x18800] =	vst v63  }
0x1ef: {  	s1 =	simm.s32 $0x1000  }
0x1f0: {  	[tilespmem:s1], [sflag:$0x1] =	stream.indirect_vreg.gather [hbm4b:s10+s0], $0x80, v5, vm0, $0xb8;
	[tilespmem:$0x18800] =	vst v63  }
0x1f1: {  	s25 =	simm.s32 $0x1800  }
0x1f2: {  	[tilespmem:s25], [sflag:$0x1] =	stream.indirect_vreg.gather [hbm4b:s11+s0], $0x80, v5, vm0, $0xb8;
	[tilespmem:$0x18800] =	vst v63  }
0x1f3: {  	s26 =	simm.s32 $0x2000  }
0x1f4: {  	[tilespmem:s26], [sflag:$0x1] =	stream.indirect_vreg.gather [hbm4b:s12+s0], $0x80, v5, vm0, $0xb8;
	[tilespmem:$0x18800] =	vst v63  }
0x1f5: {  	s29 =	simm.s32 $0x2800  }
0x1f6: {  	[tilespmem:s29], [sflag:$0x1] =	stream.indirect_vreg.gather [hbm4b:s13+s0], $0x80, v5, vm0, $0xb8;
	[tilespmem:$0x18800] =	vst v63  }
0x1f7: {  	s31 =	simm.s32 $0x3000;
	v4 =	vperm.xlane v4, v3  }
0x1f8: {  	[tilespmem:s31], [sflag:$0x1] =	stream.indirect_vreg.gather [hbm4b:s14+s0], $0x80, v5, vm0, $0xb8;
	[tilespmem:$0x18800] =	vst v63  }
0x1f9: {  	s24 =	simm.s32 $0x3800;
	v4 =	vadd.s32 v2, v4  }
0x1fa: {  	[tilespmem:s24], [sflag:$0x1] =	stream.indirect_vreg.gather [hbm4b:s15+s0], $0x80, v5, vm0, $0xb8;
	[tilespmem:$0x18800] =	vst v63  }
0x1fb: {  	s25 =	simm.s32 $0x4000  }
0x1fc: {  	[tilespmem:s25], [sflag:$0x1] =	stream.indirect_vreg.gather [hbm4b:s16+s0], $0x80, v5, vm0, $0xb8;
	[tilespmem:$0x18800] =	vst v63  }
0x1fd: {  	s26 =	simm.s32 $0x4800  }
0x1fe: {  	[tilespmem:s26], [sflag:$0x1] =	stream.indirect_vreg.gather [hbm4b:s4+s0], $0x80, v4, vm0, $0xb8;
	[tilespmem:$0x18800] =	vst v63  }
0x1ff: {  	s29 =	simm.s32 $0x5000  }
0x200: {  	[tilespmem:s29], [sflag:$0x1] =	stream.indirect_vreg.gather [hbm4b:s10+s0], $0x80, v4, vm0, $0xb8;
	[tilespmem:$0x18800] =	vst v63  }
0x201: {  	s31 =	simm.s32 $0x5800  }
0x202: {  	[tilespmem:s31], [sflag:$0x1] =	stream.indirect_vreg.gather [hbm4b:s11+s0], $0x80, v4, vm0, $0xb8;
	[tilespmem:$0x18800] =	vst v63  }
0x203: {  	s24 =	simm.s32 $0x6000  }
0x204: {  	[tilespmem:s24], [sflag:$0x1] =	stream.indirect_vreg.gather [hbm4b:s12+s0], $0x80, v4, vm0, $0xb8;
	[tilespmem:$0x18800] =	vst v63  }
0x205: {  	s25 =	simm.s32 $0x6800  }
0x206: {  	[tilespmem:s25], [sflag:$0x1] =	stream.indirect_vreg.gather [hbm4b:s13+s0], $0x80, v4, vm0, $0xb8;
	[tilespmem:$0x18800] =	vst v63  }
0x207: {  	s26 =	simm.s32 $0x7000  }
0x208: {  	[tilespmem:s26], [sflag:$0x1] =	stream.indirect_vreg.gather [hbm4b:s14+s0], $0x80, v4, vm0, $0xb8;
	[tilespmem:$0x18800] =	vst v63  }
0x209: {  	s29 =	simm.s32 $0x7800  }
0x20a: {  	[tilespmem:s29], [sflag:$0x1] =	stream.indirect_vreg.gather [hbm4b:s15+s0], $0x80, v4, vm0, $0xb8;
	[tilespmem:$0x18800] =	vst v63  }
0x20b: {  	s31 =	simm.s32 $0x8000  }
0x20c: {  	[tilespmem:s31], [sflag:$0x1] =	stream.indirect_vreg.gather [hbm4b:s16+s0], $0x80, v4, vm0, $0xb8;
	[tilespmem:$0x18800] =	vst v63  }
0x20d: {  	_ =	swait.ge [sflag:s9], $0x8000  }
0x20e: {  	[sflag:s9] =	ssyncset.done $0x0  }
0x20f: {  	p0 =	por $0x1, $0x1;
	[sflag:s9] =	ssyncadd.s32 $0xFFFF8000  }
.LBB2_15:
0x210: {  	s1 =	sshll.u32 s0, $0xE  }
0x211: {  	s25 =	sshll.u32 s0, $0xB;
	s1 =	sand.u32 $0x3FFFC000, s1  }
0x212: {  	s0 =	sadd.s32 s25, s21;
	s24 =	sadd.s32 $0x10800, s1  }
0x213: {  	[hbm4b:s0+s8] =	stream.strided.scatter [tilespmem:s24], [sflag:$0x2], $0x400, s28, s8, $0x38;
	[tilespmem:$0x18800] =	vst v63  }
0x214: {  	s26 =	sadd.s32 $0x10C00, s1;
	s25 =	sadd.s32 $0x10, s0  }
0x215: {  	[hbm4b:s25+s8] =	stream.strided.scatter [tilespmem:s26], [sflag:$0x2], $0x400, s28, s8, $0x38;
	[tilespmem:$0x18800] =	vst v63  }
0x216: {  	s29 =	sadd.s32 $0x11000, s1;
	s31 =	sadd.s32 $0x20, s0  }
0x217: {  	[hbm4b:s31+s8] =	stream.strided.scatter [tilespmem:s29], [sflag:$0x2], $0x400, s28, s8, $0x38;
	[tilespmem:$0x18800] =	vst v63  }
0x218: {  	s25 =	sadd.s32 $0x11400, s1;
	s26 =	sadd.s32 $0x30, s0  }
0x219: {  	[hbm4b:s26+s8] =	stream.strided.scatter [tilespmem:s25], [sflag:$0x2], $0x400, s28, s8, $0x38;
	[tilespmem:$0x18800] =	vst v63  }
0x21a: {  	s29 =	sadd.s32 $0x11800, s1;
	s31 =	sadd.s32 $0x40, s0  }
0x21b: {  	[hbm4b:s31+s8] =	stream.strided.scatter [tilespmem:s29], [sflag:$0x2], $0x400, s28, s8, $0x38;
	[tilespmem:$0x18800] =	vst v63  }
0x21c: {  	s25 =	sadd.s32 $0x11C00, s1;
	s26 =	sadd.s32 $0x50, s0  }
0x21d: {  	[hbm4b:s26+s8] =	stream.strided.scatter [tilespmem:s25], [sflag:$0x2], $0x400, s28, s8, $0x38;
	[tilespmem:$0x18800] =	vst v63  }
0x21e: {  	s29 =	sadd.s32 $0x12000, s1;
	s31 =	sadd.s32 $0x60, s0  }
0x21f: {  	[hbm4b:s31+s8] =	stream.strided.scatter [tilespmem:s29], [sflag:$0x2], $0x400, s28, s8, $0x38;
	[tilespmem:$0x18800] =	vst v63  }
0x220: {  	s25 =	sadd.s32 $0x12400, s1;
	s26 =	sadd.s32 $0x70, s0  }
0x221: {  	[hbm4b:s26+s8] =	stream.strided.scatter [tilespmem:s25], [sflag:$0x2], $0x400, s28, s8, $0x38;
	[tilespmem:$0x18800] =	vst v63  }
0x222: {  	s29 =	sadd.s32 $0x12800, s1;
	s31 =	sadd.s32 $0x80, s0  }
0x223: {  	[hbm4b:s31+s8] =	stream.strided.scatter [tilespmem:s29], [sflag:$0x2], $0x400, s28, s8, $0x38;
	[tilespmem:$0x18800] =	vst v63  }
0x224: {  	s25 =	sadd.s32 $0x12C00, s1;
	s26 =	sadd.s32 $0x90, s0  }
0x225: {  	[hbm4b:s26+s8] =	stream.strided.scatter [tilespmem:s25], [sflag:$0x2], $0x400, s28, s8, $0x38;
	[tilespmem:$0x18800] =	vst v63  }
0x226: {  	s29 =	sadd.s32 $0x13000, s1;
	s31 =	sadd.s32 $0xA0, s0  }
0x227: {  	[hbm4b:s31+s8] =	stream.strided.scatter [tilespmem:s29], [sflag:$0x2], $0x400, s28, s8, $0x38;
	[tilespmem:$0x18800] =	vst v63  }
0x228: {  	s25 =	sadd.s32 $0x13400, s1;
	s26 =	sadd.s32 $0xB0, s0  }
0x229: {  	[hbm4b:s26+s8] =	stream.strided.scatter [tilespmem:s25], [sflag:$0x2], $0x400, s28, s8, $0x38;
	[tilespmem:$0x18800] =	vst v63  }
0x22a: {  	s29 =	sadd.s32 $0x13800, s1;
	s31 =	sadd.s32 $0xC0, s0  }
0x22b: {  	[hbm4b:s31+s8] =	stream.strided.scatter [tilespmem:s29], [sflag:$0x2], $0x400, s28, s8, $0x38;
	[tilespmem:$0x18800] =	vst v63  }
0x22c: {  	p1 =	por p0, p0;
	s25 =	sadd.s32 $0x13C00, s1;
	s26 =	sadd.s32 $0xD0, s0  }
0x22d: {  	[hbm4b:s26+s8] =	stream.strided.scatter [tilespmem:s25], [sflag:$0x2], $0x400, s28, s8, $0x38;
	[tilespmem:$0x18800] =	vst v63  }
.Ltmp7:
0x22e: {  	s29 =	sadd.s32 $0x14000, s1;
	s31 =	sadd.s32 $0xE0, s0;
	(pc) =	sbr.rel @p1 .LBB2_15-.Ltmp7, $4  }
0x22f: {  	[hbm4b:s31+s8] =	stream.strided.scatter [tilespmem:s29], [sflag:$0x2], $0x400, s28, s8, $0x38;
	[tilespmem:$0x18800] =	vst v63  }
0x230: {  	s1 =	sadd.s32 $0x14400, s1;
	s0 =	sadd.s32 $0xF0, s0  }
0x231: {  	[hbm4b:s0+s8] =	stream.strided.scatter [tilespmem:s1], [sflag:$0x2], $0x400, s28, s8, $0x38;
	[tilespmem:$0x18800] =	vst v63  }
0x232: {  	p0 =	por $0x0, $0x0;
	s0 =	simm.s32 $0x1  }
0x233: {  	_ =	swait.ge [sflag:s30], $0x8000  }
0x234: {  	[sflag:s30] =	ssyncset.done $0x0  }
0x235: {  	[sflag:s30] =	ssyncadd.s32 $0xFFFF8000  }
0x236: {  	v4 =	vld [tilespmem:$0x7F0];
	_ =	sdelay $0x4  }
0x237: {  	v5 =	vshll.u32 v4, $0x4  }
0x238: {  	v4 =	vand.u32 $0x7, v4;
	v5 =	vand.u32 $0xFFFFFF80, v5  }
0x239: {  	v4 =	vor.u32 v4, v5  }
0x23a: {  	v5 =	vperm.xlane v4, v1;
	_ =	sdelay $0x1  }
0x23b: {  	v5 =	vadd.s32 v2, v5;
	_ =	sdelay $0x3  }
0x23c: {  	s0 =	simm.s32 $0x0;
	s1 =	simm.s32 $0x8800  }
0x23d: {  	[tilespmem:s1], [sflag:$0x1] =	stream.indirect_vreg.gather [hbm4b:s4+s0], $0x80, v5, vm0, $0xb8;
	[tilespmem:$0x18800] =	vst v63  }
0x23e: {  	s26 =	simm.s32 $0x9000  }
0x23f: {  	[tilespmem:s26], [sflag:$0x1] =	stream.indirect_vreg.gather [hbm4b:s10+s0], $0x80, v5, vm0, $0xb8;
	[tilespmem:$0x18800] =	vst v63  }
0x240: {  	s29 =	simm.s32 $0x9800  }
0x241: {  	[tilespmem:s29], [sflag:$0x1] =	stream.indirect_vreg.gather [hbm4b:s11+s0], $0x80, v5, vm0, $0xb8;
	[tilespmem:$0x18800] =	vst v63  }
0x242: {  	s31 =	simm.s32 $0xA000  }
0x243: {  	[tilespmem:s31], [sflag:$0x1] =	stream.indirect_vreg.gather [hbm4b:s12+s0], $0x80, v5, vm0, $0xb8;
	[tilespmem:$0x18800] =	vst v63  }
0x244: {  	s24 =	simm.s32 $0xA800  }
0x245: {  	[tilespmem:s24], [sflag:$0x1] =	stream.indirect_vreg.gather [hbm4b:s13+s0], $0x80, v5, vm0, $0xb8;
	[tilespmem:$0x18800] =	vst v63  }
0x246: {  	s25 =	simm.s32 $0xB000;
	v4 =	vperm.xlane v4, v3  }
0x247: {  	[tilespmem:s25], [sflag:$0x1] =	stream.indirect_vreg.gather [hbm4b:s14+s0], $0x80, v5, vm0, $0xb8;
	[tilespmem:$0x18800] =	vst v63  }
0x248: {  	v4 =	vadd.s32 v2, v4;
	s26 =	simm.s32 $0xB800  }
0x249: {  	[tilespmem:s26], [sflag:$0x1] =	stream.indirect_vreg.gather [hbm4b:s15+s0], $0x80, v5, vm0, $0xb8;
	[tilespmem:$0x18800] =	vst v63  }
0x24a: {  	s29 =	simm.s32 $0xC000  }
0x24b: {  	[tilespmem:s29], [sflag:$0x1] =	stream.indirect_vreg.gather [hbm4b:s16+s0], $0x80, v5, vm0, $0xb8;
	[tilespmem:$0x18800] =	vst v63  }
0x24c: {  	s31 =	simm.s32 $0xC800  }
0x24d: {  	[tilespmem:s31], [sflag:$0x1] =	stream.indirect_vreg.gather [hbm4b:s4+s0], $0x80, v4, vm0, $0xb8;
	[tilespmem:$0x18800] =	vst v63  }
0x24e: {  	s24 =	simm.s32 $0xD000  }
0x24f: {  	[tilespmem:s24], [sflag:$0x1] =	stream.indirect_vreg.gather [hbm4b:s10+s0], $0x80, v4, vm0, $0xb8;
	[tilespmem:$0x18800] =	vst v63  }
0x250: {  	s25 =	simm.s32 $0xD800  }
0x251: {  	[tilespmem:s25], [sflag:$0x1] =	stream.indirect_vreg.gather [hbm4b:s11+s0], $0x80, v4, vm0, $0xb8;
	[tilespmem:$0x18800] =	vst v63  }
0x252: {  	s26 =	simm.s32 $0xE000  }
0x253: {  	[tilespmem:s26], [sflag:$0x1] =	stream.indirect_vreg.gather [hbm4b:s12+s0], $0x80, v4, vm0, $0xb8;
	[tilespmem:$0x18800] =	vst v63  }
0x254: {  	s29 =	simm.s32 $0xE800  }
0x255: {  	[tilespmem:s29], [sflag:$0x1] =	stream.indirect_vreg.gather [hbm4b:s13+s0], $0x80, v4, vm0, $0xb8;
	[tilespmem:$0x18800] =	vst v63  }
0x256: {  	s31 =	simm.s32 $0xF000  }
0x257: {  	[tilespmem:s31], [sflag:$0x1] =	stream.indirect_vreg.gather [hbm4b:s14+s0], $0x80, v4, vm0, $0xb8;
	[tilespmem:$0x18800] =	vst v63  }
0x258: {  	_ = 	snop  }
0x259: {  	[tilespmem:s6], [sflag:$0x1] =	stream.indirect_vreg.gather [hbm4b:s15+s0], $0x80, v4, vm0, $0xb8;
	[tilespmem:$0x18800] =	vst v63  }
0x25a: {  	_ = 	snop  }
0x25b: {  	[tilespmem:s7], [sflag:$0x1] =	stream.indirect_vreg.gather [hbm4b:s16+s0], $0x80, v4, vm0, $0xb8;
	[tilespmem:$0x18800] =	vst v63  }
0x25c: {  	_ =	swait.ge [sflag:s9], $0x8000  }
0x25d: {  	[sflag:s9] =	ssyncset.done $0x0  }
0x25e: {  	p0 =	por $0x1, $0x1;
	[sflag:s9] =	ssyncadd.s32 $0xFFFF8000  }
.LBB2_17:
0x25f: {  	s1 =	sshll.u32 s0, $0xE  }
0x260: {  	s25 =	sshll.u32 s0, $0xB;
	s1 =	sand.u32 $0x3FFFC000, s1  }
0x261: {  	s0 =	sadd.s32 s25, s22;
	s24 =	sor.u32 $0x800, s1  }
0x262: {  	[hbm4b:s0+s8] =	stream.strided.scatter [tilespmem:s24], [sflag:$0x2], $0x400, s28, s8, $0x38;
	[tilespmem:$0x18800] =	vst v63  }
0x263: {  	s26 =	sor.u32 $0xC00, s1;
	s25 =	sadd.s32 $0x10, s0  }
0x264: {  	[hbm4b:s25+s8] =	stream.strided.scatter [tilespmem:s26], [sflag:$0x2], $0x400, s28, s8, $0x38;
	[tilespmem:$0x18800] =	vst v63  }
0x265: {  	s29 =	sor.u32 $0x1000, s1;
	s31 =	sadd.s32 $0x20, s0  }
0x266: {  	[hbm4b:s31+s8] =	stream.strided.scatter [tilespmem:s29], [sflag:$0x2], $0x400, s28, s8, $0x38;
	[tilespmem:$0x18800] =	vst v63  }
0x267: {  	s25 =	sor.u32 $0x1400, s1;
	s26 =	sadd.s32 $0x30, s0  }
0x268: {  	[hbm4b:s26+s8] =	stream.strided.scatter [tilespmem:s25], [sflag:$0x2], $0x400, s28, s8, $0x38;
	[tilespmem:$0x18800] =	vst v63  }
0x269: {  	s29 =	sor.u32 $0x1800, s1;
	s31 =	sadd.s32 $0x40, s0  }
0x26a: {  	[hbm4b:s31+s8] =	stream.strided.scatter [tilespmem:s29], [sflag:$0x2], $0x400, s28, s8, $0x38;
	[tilespmem:$0x18800] =	vst v63  }
0x26b: {  	s25 =	sor.u32 $0x1C00, s1;
	s26 =	sadd.s32 $0x50, s0  }
0x26c: {  	[hbm4b:s26+s8] =	stream.strided.scatter [tilespmem:s25], [sflag:$0x2], $0x400, s28, s8, $0x38;
	[tilespmem:$0x18800] =	vst v63  }
0x26d: {  	s29 =	sor.u32 $0x2000, s1;
	s31 =	sadd.s32 $0x60, s0  }
0x26e: {  	[hbm4b:s31+s8] =	stream.strided.scatter [tilespmem:s29], [sflag:$0x2], $0x400, s28, s8, $0x38;
	[tilespmem:$0x18800] =	vst v63  }
0x26f: {  	s25 =	sor.u32 $0x2400, s1;
	s26 =	sadd.s32 $0x70, s0  }
0x270: {  	[hbm4b:s26+s8] =	stream.strided.scatter [tilespmem:s25], [sflag:$0x2], $0x400, s28, s8, $0x38;
	[tilespmem:$0x18800] =	vst v63  }
0x271: {  	s29 =	sor.u32 $0x2800, s1;
	s31 =	sadd.s32 $0x80, s0  }
0x272: {  	[hbm4b:s31+s8] =	stream.strided.scatter [tilespmem:s29], [sflag:$0x2], $0x400, s28, s8, $0x38;
	[tilespmem:$0x18800] =	vst v63  }
0x273: {  	s25 =	sor.u32 $0x2C00, s1;
	s26 =	sadd.s32 $0x90, s0  }
0x274: {  	[hbm4b:s26+s8] =	stream.strided.scatter [tilespmem:s25], [sflag:$0x2], $0x400, s28, s8, $0x38;
	[tilespmem:$0x18800] =	vst v63  }
0x275: {  	s29 =	sor.u32 $0x3000, s1;
	s31 =	sadd.s32 $0xA0, s0  }
0x276: {  	[hbm4b:s31+s8] =	stream.strided.scatter [tilespmem:s29], [sflag:$0x2], $0x400, s28, s8, $0x38;
	[tilespmem:$0x18800] =	vst v63  }
0x277: {  	s25 =	sor.u32 $0x3400, s1;
	s26 =	sadd.s32 $0xB0, s0  }
0x278: {  	[hbm4b:s26+s8] =	stream.strided.scatter [tilespmem:s25], [sflag:$0x2], $0x400, s28, s8, $0x38;
	[tilespmem:$0x18800] =	vst v63  }
0x279: {  	s29 =	sor.u32 $0x3800, s1;
	s31 =	sadd.s32 $0xC0, s0  }
0x27a: {  	[hbm4b:s31+s8] =	stream.strided.scatter [tilespmem:s29], [sflag:$0x2], $0x400, s28, s8, $0x38;
	[tilespmem:$0x18800] =	vst v63  }
0x27b: {  	p1 =	por p0, p0;
	s25 =	sor.u32 $0x3C00, s1;
	s26 =	sadd.s32 $0xD0, s0  }
0x27c: {  	[hbm4b:s26+s8] =	stream.strided.scatter [tilespmem:s25], [sflag:$0x2], $0x400, s28, s8, $0x38;
	[tilespmem:$0x18800] =	vst v63  }
.Ltmp8:
0x27d: {  	s29 =	sadd.s32 $0x4000, s1;
	s31 =	sadd.s32 $0xE0, s0;
	(pc) =	sbr.rel @p1 .LBB2_17-.Ltmp8, $4  }
0x27e: {  	[hbm4b:s31+s8] =	stream.strided.scatter [tilespmem:s29], [sflag:$0x2], $0x400, s28, s8, $0x38;
	[tilespmem:$0x18800] =	vst v63  }
0x27f: {  	s1 =	sadd.s32 $0x4400, s1;
	s0 =	sadd.s32 $0xF0, s0  }
0x280: {  	[hbm4b:s0+s8] =	stream.strided.scatter [tilespmem:s1], [sflag:$0x2], $0x400, s28, s8, $0x38;
	[tilespmem:$0x18800] =	vst v63  }
0x281: {  	p0 =	por $0x0, $0x0;
	s0 =	simm.s32 $0x1  }
0x282: {  	_ =	swait.ge [sflag:s30], $0x8000  }
0x283: {  	[sflag:s30] =	ssyncset.done $0x0  }
0x284: {  	[sflag:s30] =	ssyncadd.s32 $0xFFFF8000  }
0x285: {  	_ =	swait.ge [sflag:s9], $0x8000  }
0x286: {  	[sflag:s9] =	ssyncset.done $0x0  }
0x287: {  	s0 =	simm.s32 $0x0;
	p0 =	por $0x1, $0x1;
	[sflag:s9] =	ssyncadd.s32 $0xFFFF8000  }
.LBB2_19:
0x288: {  	s1 =	sshll.u32 s0, $0xE  }
0x289: {  	s25 =	sshll.u32 s0, $0xB;
	s1 =	sand.u32 $0x3FFFC000, s1  }
0x28a: {  	s0 =	sadd.s32 s25, s23;
	s24 =	sadd.s32 $0x8800, s1  }
0x28b: {  	[hbm4b:s0+s8] =	stream.strided.scatter [tilespmem:s24], [sflag:$0x2], $0x400, s28, s8, $0x38;
	[tilespmem:$0x18800] =	vst v63  }
0x28c: {  	s26 =	sadd.s32 $0x8C00, s1;
	s25 =	sadd.s32 $0x10, s0  }
0x28d: {  	[hbm4b:s25+s8] =	stream.strided.scatter [tilespmem:s26], [sflag:$0x2], $0x400, s28, s8, $0x38;
	[tilespmem:$0x18800] =	vst v63  }
0x28e: {  	s29 =	sadd.s32 $0x9000, s1;
	s31 =	sadd.s32 $0x20, s0  }
0x28f: {  	[hbm4b:s31+s8] =	stream.strided.scatter [tilespmem:s29], [sflag:$0x2], $0x400, s28, s8, $0x38;
	[tilespmem:$0x18800] =	vst v63  }
0x290: {  	s25 =	sadd.s32 $0x9400, s1;
	s26 =	sadd.s32 $0x30, s0  }
0x291: {  	[hbm4b:s26+s8] =	stream.strided.scatter [tilespmem:s25], [sflag:$0x2], $0x400, s28, s8, $0x38;
	[tilespmem:$0x18800] =	vst v63  }
0x292: {  	s29 =	sadd.s32 $0x9800, s1;
	s31 =	sadd.s32 $0x40, s0  }
0x293: {  	[hbm4b:s31+s8] =	stream.strided.scatter [tilespmem:s29], [sflag:$0x2], $0x400, s28, s8, $0x38;
	[tilespmem:$0x18800] =	vst v63  }
0x294: {  	s25 =	sadd.s32 $0x9C00, s1;
	s26 =	sadd.s32 $0x50, s0  }
0x295: {  	[hbm4b:s26+s8] =	stream.strided.scatter [tilespmem:s25], [sflag:$0x2], $0x400, s28, s8, $0x38;
	[tilespmem:$0x18800] =	vst v63  }
0x296: {  	s29 =	sadd.s32 $0xA000, s1;
	s31 =	sadd.s32 $0x60, s0  }
0x297: {  	[hbm4b:s31+s8] =	stream.strided.scatter [tilespmem:s29], [sflag:$0x2], $0x400, s28, s8, $0x38;
	[tilespmem:$0x18800] =	vst v63  }
0x298: {  	s25 =	sadd.s32 $0xA400, s1;
	s26 =	sadd.s32 $0x70, s0  }
0x299: {  	[hbm4b:s26+s8] =	stream.strided.scatter [tilespmem:s25], [sflag:$0x2], $0x400, s28, s8, $0x38;
	[tilespmem:$0x18800] =	vst v63  }
0x29a: {  	s29 =	sadd.s32 $0xA800, s1;
	s31 =	sadd.s32 $0x80, s0  }
0x29b: {  	[hbm4b:s31+s8] =	stream.strided.scatter [tilespmem:s29], [sflag:$0x2], $0x400, s28, s8, $0x38;
	[tilespmem:$0x18800] =	vst v63  }
0x29c: {  	s25 =	sadd.s32 $0xAC00, s1;
	s26 =	sadd.s32 $0x90, s0  }
0x29d: {  	[hbm4b:s26+s8] =	stream.strided.scatter [tilespmem:s25], [sflag:$0x2], $0x400, s28, s8, $0x38;
	[tilespmem:$0x18800] =	vst v63  }
0x29e: {  	s29 =	sadd.s32 $0xB000, s1;
	s31 =	sadd.s32 $0xA0, s0  }
0x29f: {  	[hbm4b:s31+s8] =	stream.strided.scatter [tilespmem:s29], [sflag:$0x2], $0x400, s28, s8, $0x38;
	[tilespmem:$0x18800] =	vst v63  }
0x2a0: {  	s25 =	sadd.s32 $0xB400, s1;
	s26 =	sadd.s32 $0xB0, s0  }
0x2a1: {  	[hbm4b:s26+s8] =	stream.strided.scatter [tilespmem:s25], [sflag:$0x2], $0x400, s28, s8, $0x38;
	[tilespmem:$0x18800] =	vst v63  }
0x2a2: {  	s29 =	sadd.s32 $0xB800, s1;
	s31 =	sadd.s32 $0xC0, s0  }
0x2a3: {  	[hbm4b:s31+s8] =	stream.strided.scatter [tilespmem:s29], [sflag:$0x2], $0x400, s28, s8, $0x38;
	[tilespmem:$0x18800] =	vst v63  }
0x2a4: {  	p1 =	por p0, p0;
	s25 =	sadd.s32 $0xBC00, s1;
	s26 =	sadd.s32 $0xD0, s0  }
0x2a5: {  	[hbm4b:s26+s8] =	stream.strided.scatter [tilespmem:s25], [sflag:$0x2], $0x400, s28, s8, $0x38;
	[tilespmem:$0x18800] =	vst v63  }
.Ltmp9:
0x2a6: {  	s29 =	sadd.s32 $0xC000, s1;
	s31 =	sadd.s32 $0xE0, s0;
	(pc) =	sbr.rel @p1 .LBB2_19-.Ltmp9, $4  }
0x2a7: {  	[hbm4b:s31+s8] =	stream.strided.scatter [tilespmem:s29], [sflag:$0x2], $0x400, s28, s8, $0x38;
	[tilespmem:$0x18800] =	vst v63  }
0x2a8: {  	s1 =	sadd.s32 $0xC400, s1;
	s0 =	sadd.s32 $0xF0, s0  }
0x2a9: {  	[hbm4b:s0+s8] =	stream.strided.scatter [tilespmem:s1], [sflag:$0x2], $0x400, s28, s8, $0x38;
	[tilespmem:$0x18800] =	vst v63  }
0x2aa: {  	p0 =	por $0x0, $0x0;
	s0 =	simm.s32 $0x1  }
0x2ab: {  	_ =	swait.ge [sflag:s30], $0x8000  }
0x2ac: {  	[sflag:s30] =	ssyncset.done $0x0  }
0x2ad: {  	[sflag:s30] =	ssyncadd.s32 $0xFFFF8000  }
0x2ae: {  	_ =	swait.ge [sflag:s30], $0x8000  }
0x2af: {  	s1 =	rddreg [dreg:$0xa]  }
0x2b0: {  	s0 =	rddreg [dreg:$0x9];
	s1 =	sadd.s32 $0x1, s1  }
0x2b1: {  	p0 =	sne.s32 s1, s0  }
.Ltmp10:
0x2b2: {  	_ = 	snop;
	(pc) =	sbr.rel @p0 .LBB2_1-.Ltmp10, $3  }
0x2b3: {  	_ =	sdelay $0x1  }
0x2b4: {  	[sflag:s30] =	ssyncset.done $0x0  }
0x2b5: {  	[sflag:s30] =	ssyncadd.s32 $0xFFFF8000  }
0x2b6: {  	_ =	sfence.sel $0x180000  }
0x2b7: {  	[bflag:$0x0] =	sbarrier.arrive $0xFFFF  }
0x2b8: {  	_ =	strace $0x90000047  }
0x2b9: {  	s0 =	stileid.u32;
	[bflag:$0x2] =	sbarrier.arrive $0xFFFF  }
0x2ba: {  	p0 =	sne.s32 s0, $0x0;
	s0 =	rddreg [dreg:$0x5]  }
0x2bb: {  	s0 =	sadd.s32 @!p0 $0x100000, s0  }
0x2bc: {  	[sflag:s0] =	ssyncadd.tile.s32 @!p0 $0x1;
	_ =	shalt  }
.Lfunc_end2:
_tile_overlayer_lowered:
.L_overlay_start_2:
0x2bd: {  	(tag) =	ssettag $0x2  }
0x2be: {  	s0 =	rddreg [dreg:$0x0];
	s2 =	stileid.u32  }
0x2bf: {  	s1 =	rddreg [dreg:$0x1];
	p0 =	sne.s32 s2, $0x0  }
0x2c0: {  	s3 =	rddreg [dreg:$0x2];
	[bflag:$0x3] =	sbarrier.arrive $0xFFFF;
	s2 =	simm.s32 @!p0 $0x1C03  }
0x2c1: {  	[timem:s3], [sflag:s2] =	dma.local @!p0 [hbm:s0], s1  }
0x2c2: {  	s0 =	simm.s32 @!p0 $0x3  }
0x2c3: {  	_ =	swait.ge @!p0 [sflag:s0], s1  }
0x2c4: {  	s1 =	ssub.s32 @!p0 $0x0, s1;
	[sflag:s0] =	ssyncset.done @!p0 $0x0  }
0x2c5: {  	[sflag:s0] =	ssyncadd.s32 @!p0 s1  }
0x2c6: {  	[bflag:$0x3] =	sbarrier.arrive $0xFFFF  }
0x2c7: {  	_ =	shalt  }

</sc_bundles>
